<compile_context>
chip_gen: v7x
topology: tpu7x:2x2x1
jax: 0.10.2.dev20260603
libtpu: 0.0.44.dev20260713+nightly
codegen_flags: <defaults>
</compile_context>

<pallas_src>
import functools

import jax
import jax.numpy as jnp
from jax import lax
from jax.experimental import pallas as pl
from jax.experimental.pallas import tpu as pltpu
from jax.experimental.pallas import tpu_sc as plsc

H = 64
HP = 128
CHUNK = 128
LANES = 16
NBUF = 3
AHEAD = 2
IDXN = 4


@functools.partial(jax.jit, static_argnums=(3, 4))
def _emb_lookup(x_flat, emb_pad, pos_table, n_rows, seq):
    info = plsc.get_sparse_core_info()
    nw = info.num_cores * info.num_subcores
    rows_per_w = n_rows // nw
    n_chunks = rows_per_w // CHUNK

    mesh = plsc.VectorSubcoreMesh(core_axis_name="c", subcore_axis_name="s")

    @functools.partial(
        pl.kernel,
        mesh=mesh,
        out_type=jax.ShapeDtypeStruct((n_rows, H), jnp.float32),
        scratch_types=[
            pltpu.VMEM((IDXN * CHUNK,), jnp.int32),
            pltpu.VMEM((NBUF, CHUNK, HP), jnp.float32),
            pltpu.VMEM((NBUF, CHUNK, H), jnp.float32),
            pltpu.VMEM((seq, H), jnp.float32),
            pltpu.SemaphoreType.DMA((NBUF,)),
            pltpu.SemaphoreType.DMA((NBUF,)),
            pltpu.SemaphoreType.DMA((IDXN,)),
        ],
    )
    def body(x_hbm, emb_hbm, pos_hbm, out_hbm, idx_v, g_v, rows_v, pos_v,
             gsem, osem, isem):
        num_cores = info.num_cores
        wid = lax.axis_index("s") * num_cores + lax.axis_index("c")
        row0 = wid * rows_per_w

        pltpu.sync_copy(pos_hbm, pos_v)

        def idx_copy(c):
            k = lax.rem(c, IDXN)
            return pltpu.make_async_copy(
                x_hbm.at[pl.ds(row0 + c * CHUNK, CHUNK)],
                idx_v.at[pl.ds(pl.multiple_of(k * CHUNK, CHUNK), CHUNK)],
                isem.at[k])

        def gather_copy(c):
            k = lax.rem(c, IDXN)
            b = lax.rem(c, NBUF)
            return pltpu.make_async_copy(
                emb_hbm.at[idx_v.at[pl.ds(pl.multiple_of(k * CHUNK, CHUNK),
                                          CHUNK)]],
                g_v.at[b], gsem.at[b])

        def out_copy(c):
            b = lax.rem(c, NBUF)
            return pltpu.make_async_copy(
                rows_v.at[b],
                out_hbm.at[pl.ds(row0 + c * CHUNK, CHUNK), :],
                osem.at[b])

        for k in range(IDXN):
            idx_copy(k).start()
        for d in range(AHEAD):
            idx_copy(d).wait()
            gather_copy(d).start()

        def do_chunk(c, carry):
            b = lax.rem(c, NBUF)
            gather_copy(c).wait()

            @pl.when(c >= NBUF)
            def _wait_prev_out():
                out_copy(c - NBUF).wait()

            q = lax.rem(c * CHUNK, seq)

            @plsc.parallel_loop(0, CHUNK, step=1, unroll=8)
            def add_row(r):
                s_pos = lax.rem(q + r, seq)
                for j in range(H // LANES):
                    rows_v[b, r, pl.ds(j * LANES, LANES)] = (
                        g_v[b, r, pl.ds(j * LANES, LANES)]
                        + pos_v[s_pos, pl.ds(j * LANES, LANES)]
                    )

            out_copy(c).start()

            @pl.when(c + IDXN < n_chunks)
            def _idx_prefetch():
                idx_copy(c + IDXN).start()

            @pl.when(c + AHEAD < n_chunks)
            def _gather_prefetch():
                idx_copy(c + AHEAD).wait()
                gather_copy(c + AHEAD).start()

            return carry

        lax.fori_loop(0, n_chunks, do_chunk, 0)

        for c in range(n_chunks - NBUF, n_chunks):
            out_copy(c).wait()

    return body(x_flat, emb_pad, pos_table)


def kernel(x, emb_table, pos_table):
    b, s = x.shape
    x_flat = x.reshape(-1).astype(jnp.int32)
    emb_pad = jnp.pad(emb_table, ((0, 0), (0, HP - H)))
    out = _emb_lookup(x_flat, emb_pad, pos_table, b * s, s)
    return out.reshape(b, s, H)

# --- scband reference (transcript-rebuilt; emitter-appended) ---
"""Pipeline reference for scband-token-embedding-64244120813719 (READ-ONLY COPY).

The authoritative reference and input builder live on the scoring server;
editing this copy changes nothing except your own understanding.
"""

import jax, jax.numpy as jnp
import numpy as np

NUM_VOCAB = 100000
MAXLEN = 200
NUM_HID = 64
BATCH = 4096
SEQ = 200

def setup_inputs(seed: int = 0) -> dict:
    key = jax.random.key(seed)
    k_idx, k_emb, k_pos = jax.random.split(key, 3)
    x = jax.random.randint(k_idx, (BATCH, SEQ), 0, NUM_VOCAB, dtype=jnp.int64 if jax.config.jax_enable_x64 else jnp.int32)
    emb_table = jax.random.normal(k_emb, (NUM_VOCAB, NUM_HID), dtype=jnp.float32) * 0.05
    pos_table = jax.random.normal(k_pos, (MAXLEN, NUM_HID), dtype=jnp.float32) * 0.05
    return {"x": x, "emb_table": emb_table, "pos_table": pos_table}

def reference(x, emb_table, pos_table):
    # token embedding lookup: gather rows of emb_table
    tok = jnp.take(emb_table, x, axis=0)  # [B, S, H]
    seq_len = x.shape[-1]
    positions = jnp.arange(seq_len)
    pos = jnp.take(pos_table, positions, axis=0)  # [S, H]
    return tok + pos[None, :, :]

if __name__ == "__main__":
    import jax
    _d = setup_inputs()
    print(jax.jit(kernel)(*tuple(_d.values())))

</pallas_src>

<mosaic_0001>
#map = affine_map<(d0, d1) -> (0)>
#map1 = affine_map<(d0, d1) -> (0, 0)>
module attributes {stable_mosaic.version = 14 : i64} {
  func.func @body(%arg0: i32, %arg1: i32, %arg2: memref<819200xi32, #tpu.memory_space<hbm>>, %arg3: memref<100000x128xf32, #tpu.memory_space<hbm>>, %arg4: memref<200x64xf32, #tpu.memory_space<hbm>>, %arg5: memref<819200x64xf32, #tpu.memory_space<hbm>>, %arg6: memref<512xi32, #tpu.memory_space<vmem>>, %arg7: memref<3x128x128xf32, #tpu.memory_space<vmem>>, %arg8: memref<3x128x64xf32, #tpu.memory_space<vmem>>, %arg9: memref<200x64xf32, #tpu.memory_space<vmem>>, %arg10: memref<3x!tpu.dma_semaphore, #tpu.memory_space<semaphore_mem>>, %arg11: memref<3x!tpu.dma_semaphore, #tpu.memory_space<semaphore_mem>>, %arg12: memref<4x!tpu.dma_semaphore, #tpu.memory_space<semaphore_mem>>) attributes {dimension_semantics = [#tpu.dimension_semantics<core_parallel>, #tpu.dimension_semantics<subcore_parallel>], iteration_bounds = array<i64: 2, 16>, scalar_prefetch = 0 : i64, scratch_operands = 7 : i64, tpu.core_type = #tpu.core_type<sc_vector_subcore>, window_params = [{transform_indices = #map}, {transform_indices = #map1}, {transform_indices = #map1}, {transform_indices = #map1}]} {
    %mul3A = arith.constant 2 : i32
    %mul3A_0 = arith.muli %arg1, %mul3A : i32
    %add3A = arith.addi %mul3A_0, %arg0 : i32
    %mul3A_1 = arith.constant 25600 : i32
    %mul3A_2 = arith.muli %add3A, %mul3A_1 : i32
    "tpu.region"() ({
      %run_scoped3A = tpu.sem_alloc : memref<!tpu.dma_semaphore, #tpu.memory_space<semaphore_mem>>
      tpu.enqueue_dma source(%arg4 : memref<200x64xf32, #tpu.memory_space<hbm>>) target(%arg9 : memref<200x64xf32, #tpu.memory_space<vmem>>) target_semaphore(%run_scoped3A : memref<!tpu.dma_semaphore, #tpu.memory_space<semaphore_mem>>)
      tpu.wait_dma2 semaphore(%run_scoped3A : memref<!tpu.dma_semaphore, #tpu.memory_space<semaphore_mem>>) src(%arg4 : memref<200x64xf32, #tpu.memory_space<hbm>>) dst(%arg9 : memref<200x64xf32, #tpu.memory_space<vmem>>)
      tpu.yield
    }) : () -> ()
    %rem3A = arith.constant 0 : i32
    %rem3A_3 = arith.constant 4 : i32
    %rem3A_4 = arith.remsi %rem3A, %rem3A_3 : i32
    %add3A_5 = arith.constant 0 : i32
    %add3A_6 = arith.addi %mul3A_2, %add3A_5 : i32
    %mul3A_7 = arith.constant 128 : i32
    %mul3A_8 = arith.muli %rem3A_4, %mul3A_7 : i32
    %multiple_of3A = tpu.assume_multiple %mul3A_8, 128 : i32
    %dma_start3A = tpu.memref_slice %arg6[%multiple_of3A] : memref<512xi32, #tpu.memory_space<vmem>> -> memref<128xi32, #tpu.memory_space<vmem>>
    %dma_start3A_9 = tpu.memref_slice %arg2[%add3A_6] : memref<819200xi32, #tpu.memory_space<hbm>> -> memref<128xi32, #tpu.memory_space<hbm>>
    %dma_start3A_10 = tpu.memref_slice %arg12[%rem3A_4] : memref<4x!tpu.dma_semaphore, #tpu.memory_space<semaphore_mem>> -> memref<1x!tpu.dma_semaphore, #tpu.memory_space<semaphore_mem>>
    %dma_start3A_11 = tpu.memref_squeeze %dma_start3A_10 : memref<1x!tpu.dma_semaphore, #tpu.memory_space<semaphore_mem>> -> memref<!tpu.dma_semaphore, #tpu.memory_space<semaphore_mem>>
    %dma_start3A_12 = tpu.memref_slice %arg6[%multiple_of3A] : memref<512xi32, #tpu.memory_space<vmem>> -> memref<128xi32, #tpu.memory_space<vmem>>
    %dma_start3A_13 = tpu.memref_slice %arg2[%add3A_6] : memref<819200xi32, #tpu.memory_space<hbm>> -> memref<128xi32, #tpu.memory_space<hbm>>
    tpu.enqueue_dma source(%dma_start3A_13 : memref<128xi32, #tpu.memory_space<hbm>>) target(%dma_start3A_12 : memref<128xi32, #tpu.memory_space<vmem>>) target_semaphore(%dma_start3A_11 : memref<!tpu.dma_semaphore, #tpu.memory_space<semaphore_mem>>)
    %rem3A_14 = arith.constant 1 : i32
    %rem3A_15 = arith.constant 4 : i32
    %rem3A_16 = arith.remsi %rem3A_14, %rem3A_15 : i32
    %add3A_17 = arith.constant 128 : i32
    %add3A_18 = arith.addi %mul3A_2, %add3A_17 : i32
    %mul3A_19 = arith.constant 128 : i32
    %mul3A_20 = arith.muli %rem3A_16, %mul3A_19 : i32
    %multiple_of3A_21 = tpu.assume_multiple %mul3A_20, 128 : i32
    %dma_start3A_22 = tpu.memref_slice %arg6[%multiple_of3A_21] : memref<512xi32, #tpu.memory_space<vmem>> -> memref<128xi32, #tpu.memory_space<vmem>>
    %dma_start3A_23 = tpu.memref_slice %arg2[%add3A_18] : memref<819200xi32, #tpu.memory_space<hbm>> -> memref<128xi32, #tpu.memory_space<hbm>>
    %dma_start3A_24 = tpu.memref_slice %arg12[%rem3A_16] : memref<4x!tpu.dma_semaphore, #tpu.memory_space<semaphore_mem>> -> memref<1x!tpu.dma_semaphore, #tpu.memory_space<semaphore_mem>>
    %dma_start3A_25 = tpu.memref_squeeze %dma_start3A_24 : memref<1x!tpu.dma_semaphore, #tpu.memory_space<semaphore_mem>> -> memref<!tpu.dma_semaphore, #tpu.memory_space<semaphore_mem>>
    %dma_start3A_26 = tpu.memref_slice %arg6[%multiple_of3A_21] : memref<512xi32, #tpu.memory_space<vmem>> -> memref<128xi32, #tpu.memory_space<vmem>>
    %dma_start3A_27 = tpu.memref_slice %arg2[%add3A_18] : memref<819200xi32, #tpu.memory_space<hbm>> -> memref<128xi32, #tpu.memory_space<hbm>>
    tpu.enqueue_dma source(%dma_start3A_27 : memref<128xi32, #tpu.memory_space<hbm>>) target(%dma_start3A_26 : memref<128xi32, #tpu.memory_space<vmem>>) target_semaphore(%dma_start3A_25 : memref<!tpu.dma_semaphore, #tpu.memory_space<semaphore_mem>>)
    %rem3A_28 = arith.constant 2 : i32
    %rem3A_29 = arith.constant 4 : i32
    %rem3A_30 = arith.remsi %rem3A_28, %rem3A_29 : i32
    %add3A_31 = arith.constant 256 : i32
    %add3A_32 = arith.addi %mul3A_2, %add3A_31 : i32
    %mul3A_33 = arith.constant 128 : i32
    %mul3A_34 = arith.muli %rem3A_30, %mul3A_33 : i32
    %multiple_of3A_35 = tpu.assume_multiple %mul3A_34, 128 : i32
    %dma_start3A_36 = tpu.memref_slice %arg6[%multiple_of3A_35] : memref<512xi32, #tpu.memory_space<vmem>> -> memref<128xi32, #tpu.memory_space<vmem>>
    %dma_start3A_37 = tpu.memref_slice %arg2[%add3A_32] : memref<819200xi32, #tpu.memory_space<hbm>> -> memref<128xi32, #tpu.memory_space<hbm>>
    %dma_start3A_38 = tpu.memref_slice %arg12[%rem3A_30] : memref<4x!tpu.dma_semaphore, #tpu.memory_space<semaphore_mem>> -> memref<1x!tpu.dma_semaphore, #tpu.memory_space<semaphore_mem>>
    %dma_start3A_39 = tpu.memref_squeeze %dma_start3A_38 : memref<1x!tpu.dma_semaphore, #tpu.memory_space<semaphore_mem>> -> memref<!tpu.dma_semaphore, #tpu.memory_space<semaphore_mem>>
    %dma_start3A_40 = tpu.memref_slice %arg6[%multiple_of3A_35] : memref<512xi32, #tpu.memory_space<vmem>> -> memref<128xi32, #tpu.memory_space<vmem>>
    %dma_start3A_41 = tpu.memref_slice %arg2[%add3A_32] : memref<819200xi32, #tpu.memory_space<hbm>> -> memref<128xi32, #tpu.memory_space<hbm>>
    tpu.enqueue_dma source(%dma_start3A_41 : memref<128xi32, #tpu.memory_space<hbm>>) target(%dma_start3A_40 : memref<128xi32, #tpu.memory_space<vmem>>) target_semaphore(%dma_start3A_39 : memref<!tpu.dma_semaphore, #tpu.memory_space<semaphore_mem>>)
    %rem3A_42 = arith.constant 3 : i32
    %rem3A_43 = arith.constant 4 : i32
    %rem3A_44 = arith.remsi %rem3A_42, %rem3A_43 : i32
    %add3A_45 = arith.constant 384 : i32
    %add3A_46 = arith.addi %mul3A_2, %add3A_45 : i32
    %mul3A_47 = arith.constant 128 : i32
    %mul3A_48 = arith.muli %rem3A_44, %mul3A_47 : i32
    %multiple_of3A_49 = tpu.assume_multiple %mul3A_48, 128 : i32
    %dma_start3A_50 = tpu.memref_slice %arg6[%multiple_of3A_49] : memref<512xi32, #tpu.memory_space<vmem>> -> memref<128xi32, #tpu.memory_space<vmem>>
    %dma_start3A_51 = tpu.memref_slice %arg2[%add3A_46] : memref<819200xi32, #tpu.memory_space<hbm>> -> memref<128xi32, #tpu.memory_space<hbm>>
    %dma_start3A_52 = tpu.memref_slice %arg12[%rem3A_44] : memref<4x!tpu.dma_semaphore, #tpu.memory_space<semaphore_mem>> -> memref<1x!tpu.dma_semaphore, #tpu.memory_space<semaphore_mem>>
    %dma_start3A_53 = tpu.memref_squeeze %dma_start3A_52 : memref<1x!tpu.dma_semaphore, #tpu.memory_space<semaphore_mem>> -> memref<!tpu.dma_semaphore, #tpu.memory_space<semaphore_mem>>
    %dma_start3A_54 = tpu.memref_slice %arg6[%multiple_of3A_49] : memref<512xi32, #tpu.memory_space<vmem>> -> memref<128xi32, #tpu.memory_space<vmem>>
    %dma_start3A_55 = tpu.memref_slice %arg2[%add3A_46] : memref<819200xi32, #tpu.memory_space<hbm>> -> memref<128xi32, #tpu.memory_space<hbm>>
    tpu.enqueue_dma source(%dma_start3A_55 : memref<128xi32, #tpu.memory_space<hbm>>) target(%dma_start3A_54 : memref<128xi32, #tpu.memory_space<vmem>>) target_semaphore(%dma_start3A_53 : memref<!tpu.dma_semaphore, #tpu.memory_space<semaphore_mem>>)
    %rem3A_56 = arith.constant 0 : i32
    %rem3A_57 = arith.constant 4 : i32
    %rem3A_58 = arith.remsi %rem3A_56, %rem3A_57 : i32
    %add3A_59 = arith.constant 0 : i32
    %add3A_60 = arith.addi %mul3A_2, %add3A_59 : i32
    %mul3A_61 = arith.constant 128 : i32
    %mul3A_62 = arith.muli %rem3A_58, %mul3A_61 : i32
    %multiple_of3A_63 = tpu.assume_multiple %mul3A_62, 128 : i32
    %dma_wait3A = tpu.memref_slice %arg6[%multiple_of3A_63] : memref<512xi32, #tpu.memory_space<vmem>> -> memref<128xi32, #tpu.memory_space<vmem>>
    %dma_wait3A_64 = tpu.memref_slice %arg2[%add3A_60] : memref<819200xi32, #tpu.memory_space<hbm>> -> memref<128xi32, #tpu.memory_space<hbm>>
    %dma_wait3A_65 = tpu.memref_slice %arg12[%rem3A_58] : memref<4x!tpu.dma_semaphore, #tpu.memory_space<semaphore_mem>> -> memref<1x!tpu.dma_semaphore, #tpu.memory_space<semaphore_mem>>
    %dma_wait3A_66 = tpu.memref_squeeze %dma_wait3A_65 : memref<1x!tpu.dma_semaphore, #tpu.memory_space<semaphore_mem>> -> memref<!tpu.dma_semaphore, #tpu.memory_space<semaphore_mem>>
    %dma_wait3A_67 = tpu.memref_slice %arg6[%multiple_of3A_63] : memref<512xi32, #tpu.memory_space<vmem>> -> memref<128xi32, #tpu.memory_space<vmem>>
    %dma_wait3A_68 = tpu.memref_slice %arg2[%add3A_60] : memref<819200xi32, #tpu.memory_space<hbm>> -> memref<128xi32, #tpu.memory_space<hbm>>
    tpu.wait_dma2 semaphore(%dma_wait3A_66 : memref<!tpu.dma_semaphore, #tpu.memory_space<semaphore_mem>>) src(%dma_wait3A_68 : memref<128xi32, #tpu.memory_space<hbm>>) dst(%dma_wait3A_67 : memref<128xi32, #tpu.memory_space<vmem>>)
    %rem3A_69 = arith.constant 0 : i32
    %rem3A_70 = arith.constant 4 : i32
    %rem3A_71 = arith.remsi %rem3A_69, %rem3A_70 : i32
    %rem3A_72 = arith.constant 0 : i32
    %rem3A_73 = arith.constant 3 : i32
    %rem3A_74 = arith.remsi %rem3A_72, %rem3A_73 : i32
    %mul3A_75 = arith.constant 128 : i32
    %mul3A_76 = arith.muli %rem3A_71, %mul3A_75 : i32
    %multiple_of3A_77 = tpu.assume_multiple %mul3A_76, 128 : i32
    %dma_start3A_78 = arith.constant 0 : i32
    %dma_start3A_79 = arith.constant 0 : i32
    %dma_start3A_80 = tpu.memref_slice %arg7[%rem3A_74, %dma_start3A_78, %dma_start3A_79] : memref<3x128x128xf32, #tpu.memory_space<vmem>> -> memref<1x128x128xf32, #tpu.memory_space<vmem>>
    %dma_start3A_81 = tpu.memref_squeeze %dma_start3A_80 : memref<1x128x128xf32, #tpu.memory_space<vmem>> -> memref<128x128xf32, #tpu.memory_space<vmem>>
    %dma_start3A_82 = tpu.memref_slice %arg6[%multiple_of3A_77] : memref<512xi32, #tpu.memory_space<vmem>> -> memref<128xi32, #tpu.memory_space<vmem>>
    %dma_start3A_83 = arith.constant 0 : i32
    %dma_start3A_84 = arith.constant 0 : i32
    %dma_start3A_85 = tpu.memref_slice %arg3[%dma_start3A_83, %dma_start3A_84] : memref<100000x128xf32, #tpu.memory_space<hbm>> -> memref<100000x128xf32, #tpu.memory_space<hbm>>
    %dma_start3A_86 = tpu.memref_slice %arg10[%rem3A_74] : memref<3x!tpu.dma_semaphore, #tpu.memory_space<semaphore_mem>> -> memref<1x!tpu.dma_semaphore, #tpu.memory_space<semaphore_mem>>
    %dma_start3A_87 = tpu.memref_squeeze %dma_start3A_86 : memref<1x!tpu.dma_semaphore, #tpu.memory_space<semaphore_mem>> -> memref<!tpu.dma_semaphore, #tpu.memory_space<semaphore_mem>>
    tpu.enqueue_indirect_dma source(%dma_start3A_85 : memref<100000x128xf32, #tpu.memory_space<hbm>>) target(%dma_start3A_81 : memref<128x128xf32, #tpu.memory_space<vmem>>) offsets(%dma_start3A_82 : memref<128xi32, #tpu.memory_space<vmem>>) semaphore(%dma_start3A_87 : memref<!tpu.dma_semaphore, #tpu.memory_space<semaphore_mem>>)
    %rem3A_88 = arith.constant 1 : i32
    %rem3A_89 = arith.constant 4 : i32
    %rem3A_90 = arith.remsi %rem3A_88, %rem3A_89 : i32
    %add3A_91 = arith.constant 128 : i32
    %add3A_92 = arith.addi %mul3A_2, %add3A_91 : i32
    %mul3A_93 = arith.constant 128 : i32
    %mul3A_94 = arith.muli %rem3A_90, %mul3A_93 : i32
    %multiple_of3A_95 = tpu.assume_multiple %mul3A_94, 128 : i32
    %dma_wait3A_96 = tpu.memref_slice %arg6[%multiple_of3A_95] : memref<512xi32, #tpu.memory_space<vmem>> -> memref<128xi32, #tpu.memory_space<vmem>>
    %dma_wait3A_97 = tpu.memref_slice %arg2[%add3A_92] : memref<819200xi32, #tpu.memory_space<hbm>> -> memref<128xi32, #tpu.memory_space<hbm>>
    %dma_wait3A_98 = tpu.memref_slice %arg12[%rem3A_90] : memref<4x!tpu.dma_semaphore, #tpu.memory_space<semaphore_mem>> -> memref<1x!tpu.dma_semaphore, #tpu.memory_space<semaphore_mem>>
    %dma_wait3A_99 = tpu.memref_squeeze %dma_wait3A_98 : memref<1x!tpu.dma_semaphore, #tpu.memory_space<semaphore_mem>> -> memref<!tpu.dma_semaphore, #tpu.memory_space<semaphore_mem>>
    %dma_wait3A_100 = tpu.memref_slice %arg6[%multiple_of3A_95] : memref<512xi32, #tpu.memory_space<vmem>> -> memref<128xi32, #tpu.memory_space<vmem>>
    %dma_wait3A_101 = tpu.memref_slice %arg2[%add3A_92] : memref<819200xi32, #tpu.memory_space<hbm>> -> memref<128xi32, #tpu.memory_space<hbm>>
    tpu.wait_dma2 semaphore(%dma_wait3A_99 : memref<!tpu.dma_semaphore, #tpu.memory_space<semaphore_mem>>) src(%dma_wait3A_101 : memref<128xi32, #tpu.memory_space<hbm>>) dst(%dma_wait3A_100 : memref<128xi32, #tpu.memory_space<vmem>>)
    %rem3A_102 = arith.constant 1 : i32
    %rem3A_103 = arith.constant 4 : i32
    %rem3A_104 = arith.remsi %rem3A_102, %rem3A_103 : i32
    %rem3A_105 = arith.constant 1 : i32
    %rem3A_106 = arith.constant 3 : i32
    %rem3A_107 = arith.remsi %rem3A_105, %rem3A_106 : i32
    %mul3A_108 = arith.constant 128 : i32
    %mul3A_109 = arith.muli %rem3A_104, %mul3A_108 : i32
    %multiple_of3A_110 = tpu.assume_multiple %mul3A_109, 128 : i32
    %dma_start3A_111 = arith.constant 0 : i32
    %dma_start3A_112 = arith.constant 0 : i32
    %dma_start3A_113 = tpu.memref_slice %arg7[%rem3A_107, %dma_start3A_111, %dma_start3A_112] : memref<3x128x128xf32, #tpu.memory_space<vmem>> -> memref<1x128x128xf32, #tpu.memory_space<vmem>>
    %dma_start3A_114 = tpu.memref_squeeze %dma_start3A_113 : memref<1x128x128xf32, #tpu.memory_space<vmem>> -> memref<128x128xf32, #tpu.memory_space<vmem>>
    %dma_start3A_115 = tpu.memref_slice %arg6[%multiple_of3A_110] : memref<512xi32, #tpu.memory_space<vmem>> -> memref<128xi32, #tpu.memory_space<vmem>>
    %dma_start3A_116 = arith.constant 0 : i32
    %dma_start3A_117 = arith.constant 0 : i32
    %dma_start3A_118 = tpu.memref_slice %arg3[%dma_start3A_116, %dma_start3A_117] : memref<100000x128xf32, #tpu.memory_space<hbm>> -> memref<100000x128xf32, #tpu.memory_space<hbm>>
    %dma_start3A_119 = tpu.memref_slice %arg10[%rem3A_107] : memref<3x!tpu.dma_semaphore, #tpu.memory_space<semaphore_mem>> -> memref<1x!tpu.dma_semaphore, #tpu.memory_space<semaphore_mem>>
    %dma_start3A_120 = tpu.memref_squeeze %dma_start3A_119 : memref<1x!tpu.dma_semaphore, #tpu.memory_space<semaphore_mem>> -> memref<!tpu.dma_semaphore, #tpu.memory_space<semaphore_mem>>
    tpu.enqueue_indirect_dma source(%dma_start3A_118 : memref<100000x128xf32, #tpu.memory_space<hbm>>) target(%dma_start3A_114 : memref<128x128xf32, #tpu.memory_space<vmem>>) offsets(%dma_start3A_115 : memref<128xi32, #tpu.memory_space<vmem>>) semaphore(%dma_start3A_120 : memref<!tpu.dma_semaphore, #tpu.memory_space<semaphore_mem>>)
    %scan3A = arith.constant 0 : i32
    %scan3A_121 = arith.constant 0 : i32
    %scan3A_122 = arith.constant 200 : i32
    %scan3A_123 = arith.addi %scan3A_121, %scan3A_122 : i32
    %scan3A_124 = arith.constant 1 : i32
    scf.for %scan3A_183 = %scan3A_121 to %scan3A_123 step %scan3A_124  : i32 {
      %rem3A_184 = arith.constant 3 : i32
      %rem3A_185 = arith.remsi %scan3A_183, %rem3A_184 : i32
      %rem3A_186 = arith.constant 4 : i32
      %rem3A_187 = arith.remsi %scan3A_183, %rem3A_186 : i32
      %rem3A_188 = arith.constant 3 : i32
      %rem3A_189 = arith.remsi %scan3A_183, %rem3A_188 : i32
      %mul3A_190 = arith.constant 128 : i32
      %mul3A_191 = arith.muli %rem3A_187, %mul3A_190 : i32
      %multiple_of3A_192 = tpu.assume_multiple %mul3A_191, 128 : i32
      %dma_wait3A_193 = arith.constant 0 : i32
      %dma_wait3A_194 = arith.constant 0 : i32
      %dma_wait3A_195 = tpu.memref_slice %arg7[%rem3A_189, %dma_wait3A_193, %dma_wait3A_194] : memref<3x128x128xf32, #tpu.memory_space<vmem>> -> memref<1x128x128xf32, #tpu.memory_space<vmem>>
      %dma_wait3A_196 = tpu.memref_squeeze %dma_wait3A_195 : memref<1x128x128xf32, #tpu.memory_space<vmem>> -> memref<128x128xf32, #tpu.memory_space<vmem>>
      %dma_wait3A_197 = tpu.memref_slice %arg6[%multiple_of3A_192] : memref<512xi32, #tpu.memory_space<vmem>> -> memref<128xi32, #tpu.memory_space<vmem>>
      %dma_wait3A_198 = arith.constant 0 : i32
      %dma_wait3A_199 = arith.constant 0 : i32
      %dma_wait3A_200 = tpu.memref_slice %arg3[%dma_wait3A_198, %dma_wait3A_199] : memref<100000x128xf32, #tpu.memory_space<hbm>> -> memref<100000x128xf32, #tpu.memory_space<hbm>>
      %dma_wait3A_201 = tpu.memref_slice %arg10[%rem3A_189] : memref<3x!tpu.dma_semaphore, #tpu.memory_space<semaphore_mem>> -> memref<1x!tpu.dma_semaphore, #tpu.memory_space<semaphore_mem>>
      %dma_wait3A_202 = tpu.memref_squeeze %dma_wait3A_201 : memref<1x!tpu.dma_semaphore, #tpu.memory_space<semaphore_mem>> -> memref<!tpu.dma_semaphore, #tpu.memory_space<semaphore_mem>>
      tpu.wait_indirect_dma semaphore(%dma_wait3A_202 : memref<!tpu.dma_semaphore, #tpu.memory_space<semaphore_mem>>) src(%dma_wait3A_200 : memref<100000x128xf32, #tpu.memory_space<hbm>>) dst(%dma_wait3A_196 : memref<128x128xf32, #tpu.memory_space<vmem>>)
      %ge3A = arith.constant 3 : i32
      %ge3A_203 = arith.cmpi sge, %scan3A_183, %ge3A : i32
      %convert_element_type3A = arith.extui %ge3A_203 : i1 to i32
      %cond3A = arith.constant 0 : i32
      %cond3A_204 = arith.cmpi ne, %convert_element_type3A, %cond3A : i32
      scf.if %cond3A_204 {
        %sub3A = arith.constant 3 : i32
        %sub3A_243 = arith.subi %scan3A_183, %sub3A : i32
        %rem3A_244 = arith.constant 3 : i32
        %rem3A_245 = arith.remsi %sub3A_243, %rem3A_244 : i32
        %mul3A_246 = arith.constant 128 : i32
        %mul3A_247 = arith.muli %sub3A_243, %mul3A_246 : i32
        %add3A_248 = arith.addi %mul3A_2, %mul3A_247 : i32
        %dma_wait3A_249 = arith.constant 0 : i32
        %dma_wait3A_250 = arith.constant 0 : i32
        %dma_wait3A_251 = tpu.memref_slice %arg8[%rem3A_245, %dma_wait3A_249, %dma_wait3A_250] : memref<3x128x64xf32, #tpu.memory_space<vmem>> -> memref<1x128x64xf32, #tpu.memory_space<vmem>>
        %dma_wait3A_252 = tpu.memref_squeeze %dma_wait3A_251 : memref<1x128x64xf32, #tpu.memory_space<vmem>> -> memref<128x64xf32, #tpu.memory_space<vmem>>
        %dma_wait3A_253 = arith.constant 0 : i32
        %dma_wait3A_254 = tpu.memref_slice %arg5[%add3A_248, %dma_wait3A_253] : memref<819200x64xf32, #tpu.memory_space<hbm>> -> memref<128x64xf32, #tpu.memory_space<hbm>>
        %dma_wait3A_255 = tpu.memref_slice %arg11[%rem3A_245] : memref<3x!tpu.dma_semaphore, #tpu.memory_space<semaphore_mem>> -> memref<1x!tpu.dma_semaphore, #tpu.memory_space<semaphore_mem>>
        %dma_wait3A_256 = tpu.memref_squeeze %dma_wait3A_255 : memref<1x!tpu.dma_semaphore, #tpu.memory_space<semaphore_mem>> -> memref<!tpu.dma_semaphore, #tpu.memory_space<semaphore_mem>>
        %dma_wait3A_257 = arith.constant 0 : i32
        %dma_wait3A_258 = tpu.memref_slice %arg5[%add3A_248, %dma_wait3A_257] : memref<819200x64xf32, #tpu.memory_space<hbm>> -> memref<128x64xf32, #tpu.memory_space<hbm>>
        %dma_wait3A_259 = arith.constant 0 : i32
        %dma_wait3A_260 = arith.constant 0 : i32
        %dma_wait3A_261 = tpu.memref_slice %arg8[%rem3A_245, %dma_wait3A_259, %dma_wait3A_260] : memref<3x128x64xf32, #tpu.memory_space<vmem>> -> memref<1x128x64xf32, #tpu.memory_space<vmem>>
        %dma_wait3A_262 = tpu.memref_squeeze %dma_wait3A_261 : memref<1x128x64xf32, #tpu.memory_space<vmem>> -> memref<128x64xf32, #tpu.memory_space<vmem>>
        tpu.wait_dma2 semaphore(%dma_wait3A_256 : memref<!tpu.dma_semaphore, #tpu.memory_space<semaphore_mem>>) src(%dma_wait3A_262 : memref<128x64xf32, #tpu.memory_space<vmem>>) dst(%dma_wait3A_258 : memref<128x64xf32, #tpu.memory_space<hbm>>)
      } else {
      }
      %mul3A_205 = arith.constant 128 : i32
      %mul3A_206 = arith.muli %scan3A_183, %mul3A_205 : i32
      %rem3A_207 = arith.constant 200 : i32
      %rem3A_208 = arith.remsi %mul3A_206, %rem3A_207 : i32
      %parallel_loop3A = arith.constant 0 : i32
      %parallel_loop3A_209 = arith.constant 128 : i32
      %parallel_loop3A_210 = arith.constant 1 : i32
      scf.for %parallel_loop3A_243 = %parallel_loop3A to %parallel_loop3A_209 step %parallel_loop3A_210  : i32 {
        %parallel_loop3A_244 = arith.addi %rem3A_208, %parallel_loop3A_243 : i32
        %parallel_loop3A_245 = arith.constant 200 : i32
        %parallel_loop3A_246 = arith.remsi %parallel_loop3A_244, %parallel_loop3A_245 : i32
        %parallel_loop3A_247 = arith.index_cast %rem3A_185 : i32 to index
        %parallel_loop3A_248 = arith.index_cast %parallel_loop3A_243 : i32 to index
        %parallel_loop3A_249 = arith.constant 0 : index
        %parallel_loop3A_250 = tpu.vector_load %arg7[%parallel_loop3A_247, %parallel_loop3A_248, %parallel_loop3A_249] {strides = array<i32>} : memref<3x128x128xf32, #tpu.memory_space<vmem>>, vector<1x1x16xf32>,
        %parallel_loop3A_251 = vector.shape_cast %parallel_loop3A_250 : vector<1x1x16xf32> to vector<16xf32>
        %parallel_loop3A_252 = arith.index_cast %parallel_loop3A_246 : i32 to index
        %parallel_loop3A_253 = arith.constant 0 : index
        %parallel_loop3A_254 = tpu.vector_load %arg9[%parallel_loop3A_252, %parallel_loop3A_253] {strides = array<i32>} : memref<200x64xf32, #tpu.memory_space<vmem>>, vector<1x16xf32>,
        %parallel_loop3A_255 = vector.shape_cast %parallel_loop3A_254 : vector<1x16xf32> to vector<16xf32>
        %parallel_loop3A_256 = arith.addf %parallel_loop3A_251, %parallel_loop3A_255 : vector<16xf32>
        %parallel_loop3A_257 = arith.index_cast %rem3A_185 : i32 to index
        %parallel_loop3A_258 = arith.index_cast %parallel_loop3A_243 : i32 to index
        %parallel_loop3A_259 = arith.constant 0 : index
        %parallel_loop3A_260 = tpu.vector_load %arg8[%parallel_loop3A_257, %parallel_loop3A_258, %parallel_loop3A_259] {strides = array<i32>} : memref<3x128x64xf32, #tpu.memory_space<vmem>>, vector<1x1x16xf32>,
        %parallel_loop3A_261 = vector.shape_cast %parallel_loop3A_260 : vector<1x1x16xf32> to vector<16xf32>
        %parallel_loop3A_262 = vector.shape_cast %parallel_loop3A_256 : vector<16xf32> to vector<1x1x16xf32>
        tpu.vector_store %arg8[%parallel_loop3A_257, %parallel_loop3A_258, %parallel_loop3A_259], %parallel_loop3A_262 {strides = array<i32>} : memref<3x128x64xf32, #tpu.memory_space<vmem>>, vector<1x1x16xf32>,
        %parallel_loop3A_263 = arith.index_cast %rem3A_185 : i32 to index
        %parallel_loop3A_264 = arith.index_cast %parallel_loop3A_243 : i32 to index
        %parallel_loop3A_265 = arith.constant 16 : index
        %parallel_loop3A_266 = tpu.vector_load %arg7[%parallel_loop3A_263, %parallel_loop3A_264, %parallel_loop3A_265] {strides = array<i32>} : memref<3x128x128xf32, #tpu.memory_space<vmem>>, vector<1x1x16xf32>,
        %parallel_loop3A_267 = vector.shape_cast %parallel_loop3A_266 : vector<1x1x16xf32> to vector<16xf32>
        %parallel_loop3A_268 = arith.index_cast %parallel_loop3A_246 : i32 to index
        %parallel_loop3A_269 = arith.constant 16 : index
        %parallel_loop3A_270 = tpu.vector_load %arg9[%parallel_loop3A_268, %parallel_loop3A_269] {strides = array<i32>} : memref<200x64xf32, #tpu.memory_space<vmem>>, vector<1x16xf32>,
        %parallel_loop3A_271 = vector.shape_cast %parallel_loop3A_270 : vector<1x16xf32> to vector<16xf32>
        %parallel_loop3A_272 = arith.addf %parallel_loop3A_267, %parallel_loop3A_271 : vector<16xf32>
        %parallel_loop3A_273 = arith.index_cast %rem3A_185 : i32 to index
        %parallel_loop3A_274 = arith.index_cast %parallel_loop3A_243 : i32 to index
        %parallel_loop3A_275 = arith.constant 16 : index
        %parallel_loop3A_276 = tpu.vector_load %arg8[%parallel_loop3A_273, %parallel_loop3A_274, %parallel_loop3A_275] {strides = array<i32>} : memref<3x128x64xf32, #tpu.memory_space<vmem>>, vector<1x1x16xf32>,
        %parallel_loop3A_277 = vector.shape_cast %parallel_loop3A_276 : vector<1x1x16xf32> to vector<16xf32>
        %parallel_loop3A_278 = vector.shape_cast %parallel_loop3A_272 : vector<16xf32> to vector<1x1x16xf32>
        tpu.vector_store %arg8[%parallel_loop3A_273, %parallel_loop3A_274, %parallel_loop3A_275], %parallel_loop3A_278 {strides = array<i32>} : memref<3x128x64xf32, #tpu.memory_space<vmem>>, vector<1x1x16xf32>,
        %parallel_loop3A_279 = arith.index_cast %rem3A_185 : i32 to index
        %parallel_loop3A_280 = arith.index_cast %parallel_loop3A_243 : i32 to index
        %parallel_loop3A_281 = arith.constant 32 : index
        %parallel_loop3A_282 = tpu.vector_load %arg7[%parallel_loop3A_279, %parallel_loop3A_280, %parallel_loop3A_281] {strides = array<i32>} : memref<3x128x128xf32, #tpu.memory_space<vmem>>, vector<1x1x16xf32>,
        %parallel_loop3A_283 = vector.shape_cast %parallel_loop3A_282 : vector<1x1x16xf32> to vector<16xf32>
        %parallel_loop3A_284 = arith.index_cast %parallel_loop3A_246 : i32 to index
        %parallel_loop3A_285 = arith.constant 32 : index
        %parallel_loop3A_286 = tpu.vector_load %arg9[%parallel_loop3A_284, %parallel_loop3A_285] {strides = array<i32>} : memref<200x64xf32, #tpu.memory_space<vmem>>, vector<1x16xf32>,
        %parallel_loop3A_287 = vector.shape_cast %parallel_loop3A_286 : vector<1x16xf32> to vector<16xf32>
        %parallel_loop3A_288 = arith.addf %parallel_loop3A_283, %parallel_loop3A_287 : vector<16xf32>
        %parallel_loop3A_289 = arith.index_cast %rem3A_185 : i32 to index
        %parallel_loop3A_290 = arith.index_cast %parallel_loop3A_243 : i32 to index
        %parallel_loop3A_291 = arith.constant 32 : index
        %parallel_loop3A_292 = tpu.vector_load %arg8[%parallel_loop3A_289, %parallel_loop3A_290, %parallel_loop3A_291] {strides = array<i32>} : memref<3x128x64xf32, #tpu.memory_space<vmem>>, vector<1x1x16xf32>,
        %parallel_loop3A_293 = vector.shape_cast %parallel_loop3A_292 : vector<1x1x16xf32> to vector<16xf32>
        %parallel_loop3A_294 = vector.shape_cast %parallel_loop3A_288 : vector<16xf32> to vector<1x1x16xf32>
        tpu.vector_store %arg8[%parallel_loop3A_289, %parallel_loop3A_290, %parallel_loop3A_291], %parallel_loop3A_294 {strides = array<i32>} : memref<3x128x64xf32, #tpu.memory_space<vmem>>, vector<1x1x16xf32>,
        %parallel_loop3A_295 = arith.index_cast %rem3A_185 : i32 to index
        %parallel_loop3A_296 = arith.index_cast %parallel_loop3A_243 : i32 to index
        %parallel_loop3A_297 = arith.constant 48 : index
        %parallel_loop3A_298 = tpu.vector_load %arg7[%parallel_loop3A_295, %parallel_loop3A_296, %parallel_loop3A_297] {strides = array<i32>} : memref<3x128x128xf32, #tpu.memory_space<vmem>>, vector<1x1x16xf32>,
        %parallel_loop3A_299 = vector.shape_cast %parallel_loop3A_298 : vector<1x1x16xf32> to vector<16xf32>
        %parallel_loop3A_300 = arith.index_cast %parallel_loop3A_246 : i32 to index
        %parallel_loop3A_301 = arith.constant 48 : index
        %parallel_loop3A_302 = tpu.vector_load %arg9[%parallel_loop3A_300, %parallel_loop3A_301] {strides = array<i32>} : memref<200x64xf32, #tpu.memory_space<vmem>>, vector<1x16xf32>,
        %parallel_loop3A_303 = vector.shape_cast %parallel_loop3A_302 : vector<1x16xf32> to vector<16xf32>
        %parallel_loop3A_304 = arith.addf %parallel_loop3A_299, %parallel_loop3A_303 : vector<16xf32>
        %parallel_loop3A_305 = arith.index_cast %rem3A_185 : i32 to index
        %parallel_loop3A_306 = arith.index_cast %parallel_loop3A_243 : i32 to index
        %parallel_loop3A_307 = arith.constant 48 : index
        %parallel_loop3A_308 = tpu.vector_load %arg8[%parallel_loop3A_305, %parallel_loop3A_306, %parallel_loop3A_307] {strides = array<i32>} : memref<3x128x64xf32, #tpu.memory_space<vmem>>, vector<1x1x16xf32>,
        %parallel_loop3A_309 = vector.shape_cast %parallel_loop3A_308 : vector<1x1x16xf32> to vector<16xf32>
        %parallel_loop3A_310 = vector.shape_cast %parallel_loop3A_304 : vector<16xf32> to vector<1x1x16xf32>
        tpu.vector_store %arg8[%parallel_loop3A_305, %parallel_loop3A_306, %parallel_loop3A_307], %parallel_loop3A_310 {strides = array<i32>} : memref<3x128x64xf32, #tpu.memory_space<vmem>>, vector<1x1x16xf32>,
      } {sc.loop_unroll_factor = 8 : i64, sc.parallel_access}
      %rem3A_211 = arith.constant 3 : i32
      %rem3A_212 = arith.remsi %scan3A_183, %rem3A_211 : i32
      %mul3A_213 = arith.constant 128 : i32
      %mul3A_214 = arith.muli %scan3A_183, %mul3A_213 : i32
      %add3A_215 = arith.addi %mul3A_2, %mul3A_214 : i32
      %dma_start3A_216 = arith.constant 0 : i32
      %dma_start3A_217 = arith.constant 0 : i32
      %dma_start3A_218 = tpu.memref_slice %arg8[%rem3A_212, %dma_start3A_216, %dma_start3A_217] : memref<3x128x64xf32, #tpu.memory_space<vmem>> -> memref<1x128x64xf32, #tpu.memory_space<vmem>>
      %dma_start3A_219 = tpu.memref_squeeze %dma_start3A_218 : memref<1x128x64xf32, #tpu.memory_space<vmem>> -> memref<128x64xf32, #tpu.memory_space<vmem>>
      %dma_start3A_220 = arith.constant 0 : i32
      %dma_start3A_221 = tpu.memref_slice %arg5[%add3A_215, %dma_start3A_220] : memref<819200x64xf32, #tpu.memory_space<hbm>> -> memref<128x64xf32, #tpu.memory_space<hbm>>
      %dma_start3A_222 = tpu.memref_slice %arg11[%rem3A_212] : memref<3x!tpu.dma_semaphore, #tpu.memory_space<semaphore_mem>> -> memref<1x!tpu.dma_semaphore, #tpu.memory_space<semaphore_mem>>
      %dma_start3A_223 = tpu.memref_squeeze %dma_start3A_222 : memref<1x!tpu.dma_semaphore, #tpu.memory_space<semaphore_mem>> -> memref<!tpu.dma_semaphore, #tpu.memory_space<semaphore_mem>>
      %dma_start3A_224 = arith.constant 0 : i32
      %dma_start3A_225 = tpu.memref_slice %arg5[%add3A_215, %dma_start3A_224] : memref<819200x64xf32, #tpu.memory_space<hbm>> -> memref<128x64xf32, #tpu.memory_space<hbm>>
      %dma_start3A_226 = arith.constant 0 : i32
      %dma_start3A_227 = arith.constant 0 : i32
      %dma_start3A_228 = tpu.memref_slice %arg8[%rem3A_212, %dma_start3A_226, %dma_start3A_227] : memref<3x128x64xf32, #tpu.memory_space<vmem>> -> memref<1x128x64xf32, #tpu.memory_space<vmem>>
      %dma_start3A_229 = tpu.memref_squeeze %dma_start3A_228 : memref<1x128x64xf32, #tpu.memory_space<vmem>> -> memref<128x64xf32, #tpu.memory_space<vmem>>
      tpu.enqueue_dma source(%dma_start3A_229 : memref<128x64xf32, #tpu.memory_space<vmem>>) target(%dma_start3A_225 : memref<128x64xf32, #tpu.memory_space<hbm>>) target_semaphore(%dma_start3A_223 : memref<!tpu.dma_semaphore, #tpu.memory_space<semaphore_mem>>)
      %add3A_230 = arith.constant 4 : i32
      %add3A_231 = arith.addi %scan3A_183, %add3A_230 : i32
      %lt3A = arith.constant 200 : i32
      %lt3A_232 = arith.cmpi slt, %add3A_231, %lt3A : i32
      %convert_element_type3A_233 = arith.extui %lt3A_232 : i1 to i32
      %cond3A_234 = arith.constant 0 : i32
      %cond3A_235 = arith.cmpi ne, %convert_element_type3A_233, %cond3A_234 : i32
      scf.if %cond3A_235 {
        %add3A_243 = arith.constant 4 : i32
        %add3A_244 = arith.addi %scan3A_183, %add3A_243 : i32
        %rem3A_245 = arith.constant 4 : i32
        %rem3A_246 = arith.remsi %add3A_244, %rem3A_245 : i32
        %mul3A_247 = arith.constant 128 : i32
        %mul3A_248 = arith.muli %add3A_244, %mul3A_247 : i32
        %add3A_249 = arith.addi %mul3A_2, %mul3A_248 : i32
        %mul3A_250 = arith.constant 128 : i32
        %mul3A_251 = arith.muli %rem3A_246, %mul3A_250 : i32
        %multiple_of3A_252 = tpu.assume_multiple %mul3A_251, 128 : i32
        %dma_start3A_253 = tpu.memref_slice %arg6[%multiple_of3A_252] : memref<512xi32, #tpu.memory_space<vmem>> -> memref<128xi32, #tpu.memory_space<vmem>>
        %dma_start3A_254 = tpu.memref_slice %arg2[%add3A_249] : memref<819200xi32, #tpu.memory_space<hbm>> -> memref<128xi32, #tpu.memory_space<hbm>>
        %dma_start3A_255 = tpu.memref_slice %arg12[%rem3A_246] : memref<4x!tpu.dma_semaphore, #tpu.memory_space<semaphore_mem>> -> memref<1x!tpu.dma_semaphore, #tpu.memory_space<semaphore_mem>>
        %dma_start3A_256 = tpu.memref_squeeze %dma_start3A_255 : memref<1x!tpu.dma_semaphore, #tpu.memory_space<semaphore_mem>> -> memref<!tpu.dma_semaphore, #tpu.memory_space<semaphore_mem>>
        %dma_start3A_257 = tpu.memref_slice %arg6[%multiple_of3A_252] : memref<512xi32, #tpu.memory_space<vmem>> -> memref<128xi32, #tpu.memory_space<vmem>>
        %dma_start3A_258 = tpu.memref_slice %arg2[%add3A_249] : memref<819200xi32, #tpu.memory_space<hbm>> -> memref<128xi32, #tpu.memory_space<hbm>>
        tpu.enqueue_dma source(%dma_start3A_258 : memref<128xi32, #tpu.memory_space<hbm>>) target(%dma_start3A_257 : memref<128xi32, #tpu.memory_space<vmem>>) target_semaphore(%dma_start3A_256 : memref<!tpu.dma_semaphore, #tpu.memory_space<semaphore_mem>>)
      } else {
      }
      %add3A_236 = arith.constant 2 : i32
      %add3A_237 = arith.addi %scan3A_183, %add3A_236 : i32
      %lt3A_238 = arith.constant 200 : i32
      %lt3A_239 = arith.cmpi slt, %add3A_237, %lt3A_238 : i32
      %convert_element_type3A_240 = arith.extui %lt3A_239 : i1 to i32
      %cond3A_241 = arith.constant 0 : i32
      %cond3A_242 = arith.cmpi ne, %convert_element_type3A_240, %cond3A_241 : i32
      scf.if %cond3A_242 {
        %add3A_243 = arith.constant 2 : i32
        %add3A_244 = arith.addi %scan3A_183, %add3A_243 : i32
        %rem3A_245 = arith.constant 4 : i32
        %rem3A_246 = arith.remsi %add3A_244, %rem3A_245 : i32
        %mul3A_247 = arith.constant 128 : i32
        %mul3A_248 = arith.muli %add3A_244, %mul3A_247 : i32
        %add3A_249 = arith.addi %mul3A_2, %mul3A_248 : i32
        %mul3A_250 = arith.constant 128 : i32
        %mul3A_251 = arith.muli %rem3A_246, %mul3A_250 : i32
        %multiple_of3A_252 = tpu.assume_multiple %mul3A_251, 128 : i32
        %dma_wait3A_253 = tpu.memref_slice %arg6[%multiple_of3A_252] : memref<512xi32, #tpu.memory_space<vmem>> -> memref<128xi32, #tpu.memory_space<vmem>>
        %dma_wait3A_254 = tpu.memref_slice %arg2[%add3A_249] : memref<819200xi32, #tpu.memory_space<hbm>> -> memref<128xi32, #tpu.memory_space<hbm>>
        %dma_wait3A_255 = tpu.memref_slice %arg12[%rem3A_246] : memref<4x!tpu.dma_semaphore, #tpu.memory_space<semaphore_mem>> -> memref<1x!tpu.dma_semaphore, #tpu.memory_space<semaphore_mem>>
        %dma_wait3A_256 = tpu.memref_squeeze %dma_wait3A_255 : memref<1x!tpu.dma_semaphore, #tpu.memory_space<semaphore_mem>> -> memref<!tpu.dma_semaphore, #tpu.memory_space<semaphore_mem>>
        %dma_wait3A_257 = tpu.memref_slice %arg6[%multiple_of3A_252] : memref<512xi32, #tpu.memory_space<vmem>> -> memref<128xi32, #tpu.memory_space<vmem>>
        %dma_wait3A_258 = tpu.memref_slice %arg2[%add3A_249] : memref<819200xi32, #tpu.memory_space<hbm>> -> memref<128xi32, #tpu.memory_space<hbm>>
        tpu.wait_dma2 semaphore(%dma_wait3A_256 : memref<!tpu.dma_semaphore, #tpu.memory_space<semaphore_mem>>) src(%dma_wait3A_258 : memref<128xi32, #tpu.memory_space<hbm>>) dst(%dma_wait3A_257 : memref<128xi32, #tpu.memory_space<vmem>>)
        %add3A_259 = arith.constant 2 : i32
        %add3A_260 = arith.addi %scan3A_183, %add3A_259 : i32
        %rem3A_261 = arith.constant 4 : i32
        %rem3A_262 = arith.remsi %add3A_260, %rem3A_261 : i32
        %rem3A_263 = arith.constant 3 : i32
        %rem3A_264 = arith.remsi %add3A_260, %rem3A_263 : i32
        %mul3A_265 = arith.constant 128 : i32
        %mul3A_266 = arith.muli %rem3A_262, %mul3A_265 : i32
        %multiple_of3A_267 = tpu.assume_multiple %mul3A_266, 128 : i32
        %dma_start3A_268 = arith.constant 0 : i32
        %dma_start3A_269 = arith.constant 0 : i32
        %dma_start3A_270 = tpu.memref_slice %arg7[%rem3A_264, %dma_start3A_268, %dma_start3A_269] : memref<3x128x128xf32, #tpu.memory_space<vmem>> -> memref<1x128x128xf32, #tpu.memory_space<vmem>>
        %dma_start3A_271 = tpu.memref_squeeze %dma_start3A_270 : memref<1x128x128xf32, #tpu.memory_space<vmem>> -> memref<128x128xf32, #tpu.memory_space<vmem>>
        %dma_start3A_272 = tpu.memref_slice %arg6[%multiple_of3A_267] : memref<512xi32, #tpu.memory_space<vmem>> -> memref<128xi32, #tpu.memory_space<vmem>>
        %dma_start3A_273 = arith.constant 0 : i32
        %dma_start3A_274 = arith.constant 0 : i32
        %dma_start3A_275 = tpu.memref_slice %arg3[%dma_start3A_273, %dma_start3A_274] : memref<100000x128xf32, #tpu.memory_space<hbm>> -> memref<100000x128xf32, #tpu.memory_space<hbm>>
        %dma_start3A_276 = tpu.memref_slice %arg10[%rem3A_264] : memref<3x!tpu.dma_semaphore, #tpu.memory_space<semaphore_mem>> -> memref<1x!tpu.dma_semaphore, #tpu.memory_space<semaphore_mem>>
        %dma_start3A_277 = tpu.memref_squeeze %dma_start3A_276 : memref<1x!tpu.dma_semaphore, #tpu.memory_space<semaphore_mem>> -> memref<!tpu.dma_semaphore, #tpu.memory_space<semaphore_mem>>
        tpu.enqueue_indirect_dma source(%dma_start3A_275 : memref<100000x128xf32, #tpu.memory_space<hbm>>) target(%dma_start3A_271 : memref<128x128xf32, #tpu.memory_space<vmem>>) offsets(%dma_start3A_272 : memref<128xi32, #tpu.memory_space<vmem>>) semaphore(%dma_start3A_277 : memref<!tpu.dma_semaphore, #tpu.memory_space<semaphore_mem>>)
      } else {
      }
    }
    %scan3A_125 = arith.constant 200 : i32
    %rem3A_126 = arith.constant 197 : i32
    %rem3A_127 = arith.constant 3 : i32
    %rem3A_128 = arith.remsi %rem3A_126, %rem3A_127 : i32
    %add3A_129 = arith.constant 25216 : i32
    %add3A_130 = arith.addi %mul3A_2, %add3A_129 : i32
    %dma_wait3A_131 = arith.constant 0 : i32
    %dma_wait3A_132 = arith.constant 0 : i32
    %dma_wait3A_133 = tpu.memref_slice %arg8[%rem3A_128, %dma_wait3A_131, %dma_wait3A_132] : memref<3x128x64xf32, #tpu.memory_space<vmem>> -> memref<1x128x64xf32, #tpu.memory_space<vmem>>
    %dma_wait3A_134 = tpu.memref_squeeze %dma_wait3A_133 : memref<1x128x64xf32, #tpu.memory_space<vmem>> -> memref<128x64xf32, #tpu.memory_space<vmem>>
    %dma_wait3A_135 = arith.constant 0 : i32
    %dma_wait3A_136 = tpu.memref_slice %arg5[%add3A_130, %dma_wait3A_135] : memref<819200x64xf32, #tpu.memory_space<hbm>> -> memref<128x64xf32, #tpu.memory_space<hbm>>
    %dma_wait3A_137 = tpu.memref_slice %arg11[%rem3A_128] : memref<3x!tpu.dma_semaphore, #tpu.memory_space<semaphore_mem>> -> memref<1x!tpu.dma_semaphore, #tpu.memory_space<semaphore_mem>>
    %dma_wait3A_138 = tpu.memref_squeeze %dma_wait3A_137 : memref<1x!tpu.dma_semaphore, #tpu.memory_space<semaphore_mem>> -> memref<!tpu.dma_semaphore, #tpu.memory_space<semaphore_mem>>
    %dma_wait3A_139 = arith.constant 0 : i32
    %dma_wait3A_140 = tpu.memref_slice %arg5[%add3A_130, %dma_wait3A_139] : memref<819200x64xf32, #tpu.memory_space<hbm>> -> memref<128x64xf32, #tpu.memory_space<hbm>>
    %dma_wait3A_141 = arith.constant 0 : i32
    %dma_wait3A_142 = arith.constant 0 : i32
    %dma_wait3A_143 = tpu.memref_slice %arg8[%rem3A_128, %dma_wait3A_141, %dma_wait3A_142] : memref<3x128x64xf32, #tpu.memory_space<vmem>> -> memref<1x128x64xf32, #tpu.memory_space<vmem>>
    %dma_wait3A_144 = tpu.memref_squeeze %dma_wait3A_143 : memref<1x128x64xf32, #tpu.memory_space<vmem>> -> memref<128x64xf32, #tpu.memory_space<vmem>>
    tpu.wait_dma2 semaphore(%dma_wait3A_138 : memref<!tpu.dma_semaphore, #tpu.memory_space<semaphore_mem>>) src(%dma_wait3A_144 : memref<128x64xf32, #tpu.memory_space<vmem>>) dst(%dma_wait3A_140 : memref<128x64xf32, #tpu.memory_space<hbm>>)
    %rem3A_145 = arith.constant 198 : i32
    %rem3A_146 = arith.constant 3 : i32
    %rem3A_147 = arith.remsi %rem3A_145, %rem3A_146 : i32
    %add3A_148 = arith.constant 25344 : i32
    %add3A_149 = arith.addi %mul3A_2, %add3A_148 : i32
    %dma_wait3A_150 = arith.constant 0 : i32
    %dma_wait3A_151 = arith.constant 0 : i32
    %dma_wait3A_152 = tpu.memref_slice %arg8[%rem3A_147, %dma_wait3A_150, %dma_wait3A_151] : memref<3x128x64xf32, #tpu.memory_space<vmem>> -> memref<1x128x64xf32, #tpu.memory_space<vmem>>
    %dma_wait3A_153 = tpu.memref_squeeze %dma_wait3A_152 : memref<1x128x64xf32, #tpu.memory_space<vmem>> -> memref<128x64xf32, #tpu.memory_space<vmem>>
    %dma_wait3A_154 = arith.constant 0 : i32
    %dma_wait3A_155 = tpu.memref_slice %arg5[%add3A_149, %dma_wait3A_154] : memref<819200x64xf32, #tpu.memory_space<hbm>> -> memref<128x64xf32, #tpu.memory_space<hbm>>
    %dma_wait3A_156 = tpu.memref_slice %arg11[%rem3A_147] : memref<3x!tpu.dma_semaphore, #tpu.memory_space<semaphore_mem>> -> memref<1x!tpu.dma_semaphore, #tpu.memory_space<semaphore_mem>>
    %dma_wait3A_157 = tpu.memref_squeeze %dma_wait3A_156 : memref<1x!tpu.dma_semaphore, #tpu.memory_space<semaphore_mem>> -> memref<!tpu.dma_semaphore, #tpu.memory_space<semaphore_mem>>
    %dma_wait3A_158 = arith.constant 0 : i32
    %dma_wait3A_159 = tpu.memref_slice %arg5[%add3A_149, %dma_wait3A_158] : memref<819200x64xf32, #tpu.memory_space<hbm>> -> memref<128x64xf32, #tpu.memory_space<hbm>>
    %dma_wait3A_160 = arith.constant 0 : i32
    %dma_wait3A_161 = arith.constant 0 : i32
    %dma_wait3A_162 = tpu.memref_slice %arg8[%rem3A_147, %dma_wait3A_160, %dma_wait3A_161] : memref<3x128x64xf32, #tpu.memory_space<vmem>> -> memref<1x128x64xf32, #tpu.memory_space<vmem>>
    %dma_wait3A_163 = tpu.memref_squeeze %dma_wait3A_162 : memref<1x128x64xf32, #tpu.memory_space<vmem>> -> memref<128x64xf32, #tpu.memory_space<vmem>>
    tpu.wait_dma2 semaphore(%dma_wait3A_157 : memref<!tpu.dma_semaphore, #tpu.memory_space<semaphore_mem>>) src(%dma_wait3A_163 : memref<128x64xf32, #tpu.memory_space<vmem>>) dst(%dma_wait3A_159 : memref<128x64xf32, #tpu.memory_space<hbm>>)
    %rem3A_164 = arith.constant 199 : i32
    %rem3A_165 = arith.constant 3 : i32
    %rem3A_166 = arith.remsi %rem3A_164, %rem3A_165 : i32
    %add3A_167 = arith.constant 25472 : i32
    %add3A_168 = arith.addi %mul3A_2, %add3A_167 : i32
    %dma_wait3A_169 = arith.constant 0 : i32
    %dma_wait3A_170 = arith.constant 0 : i32
    %dma_wait3A_171 = tpu.memref_slice %arg8[%rem3A_166, %dma_wait3A_169, %dma_wait3A_170] : memref<3x128x64xf32, #tpu.memory_space<vmem>> -> memref<1x128x64xf32, #tpu.memory_space<vmem>>
    %dma_wait3A_172 = tpu.memref_squeeze %dma_wait3A_171 : memref<1x128x64xf32, #tpu.memory_space<vmem>> -> memref<128x64xf32, #tpu.memory_space<vmem>>
    %dma_wait3A_173 = arith.constant 0 : i32
    %dma_wait3A_174 = tpu.memref_slice %arg5[%add3A_168, %dma_wait3A_173] : memref<819200x64xf32, #tpu.memory_space<hbm>> -> memref<128x64xf32, #tpu.memory_space<hbm>>
    %dma_wait3A_175 = tpu.memref_slice %arg11[%rem3A_166] : memref<3x!tpu.dma_semaphore, #tpu.memory_space<semaphore_mem>> -> memref<1x!tpu.dma_semaphore, #tpu.memory_space<semaphore_mem>>
    %dma_wait3A_176 = tpu.memref_squeeze %dma_wait3A_175 : memref<1x!tpu.dma_semaphore, #tpu.memory_space<semaphore_mem>> -> memref<!tpu.dma_semaphore, #tpu.memory_space<semaphore_mem>>
    %dma_wait3A_177 = arith.constant 0 : i32
    %dma_wait3A_178 = tpu.memref_slice %arg5[%add3A_168, %dma_wait3A_177] : memref<819200x64xf32, #tpu.memory_space<hbm>> -> memref<128x64xf32, #tpu.memory_space<hbm>>
    %dma_wait3A_179 = arith.constant 0 : i32
    %dma_wait3A_180 = arith.constant 0 : i32
    %dma_wait3A_181 = tpu.memref_slice %arg8[%rem3A_166, %dma_wait3A_179, %dma_wait3A_180] : memref<3x128x64xf32, #tpu.memory_space<vmem>> -> memref<1x128x64xf32, #tpu.memory_space<vmem>>
    %dma_wait3A_182 = tpu.memref_squeeze %dma_wait3A_181 : memref<1x128x64xf32, #tpu.memory_space<vmem>> -> memref<128x64xf32, #tpu.memory_space<vmem>>
    tpu.wait_dma2 semaphore(%dma_wait3A_176 : memref<!tpu.dma_semaphore, #tpu.memory_space<semaphore_mem>>) src(%dma_wait3A_182 : memref<128x64xf32, #tpu.memory_space<vmem>>) dst(%dma_wait3A_178 : memref<128x64xf32, #tpu.memory_space<hbm>>)
    return
  }
}

</mosaic_0001>

<sc_bundles>
// kernel: _emb_lookup.3.cloned.1.call-start
scs
__scs_entry_jumppad:
0x0: {  	(pc) =	sbr.rel $0x88, $3  }
0x1: {  	(tag) =	ssettag $0x0;
	lr =	simm.s32 $0x1  }
0x2: {  	[smem:$0x3F9E] =	sst lr;
	_ =	strace $0xD0000000  }
0x3: {  	_ = 	snop  }
0x4: {  	_ = 	snop  }
0x5: {  	_ = 	snop  }
0x6: {  	_ = 	snop  }
0x7: {  	_ = 	snop  }
__scs_overlays_trampoline_lowered:
0x8: {  	[smem:$0x3FAD] =	sst s0  }
0x9: {  	[smem:$0x3FAE] =	sst s1  }
0xa: {  	[smem:$0x3FAF] =	sst s2  }
0xb: {  	[smem:$0x3FB0] =	sst s3  }
0xc: {  	[smem:$0x3FB1] =	sst s4  }
0xd: {  	[smem:$0x3FB2] =	sst s5  }
0xe: {  	[smem:$0x3FB3] =	sst s6  }
0xf: {  	[smem:$0x3FB4] =	sst s7  }
0x10: {  	[smem:$0x3FB5] =	sst s8  }
0x11: {  	[smem:$0x3FB6] =	sst s9;
	s0 =	simm.s32 @!p0 $0x0  }
0x12: {  	s1 =	sld [smem:$0x3F9C];
	s0 =	simm.s32 @p0 $0x1  }
0x13: {  	[smem:$0x3FB7] =	sst s0;
	s0 =	simm.s32 @!p1 $0x0  }
0x14: {  	s2 =	sld [smem:$0x3F9B];
	s0 =	simm.s32 @p1 $0x1  }
0x15: {  	[smem:$0x3FB8] =	sst s0;
	s0 =	simm.s32 @!p2 $0x0  }
0x16: {  	s3 =	sld [smem:$0x3FDB];
	s0 =	simm.s32 @p2 $0x1  }
0x17: {  	s4 =	simm.s32 $0x1BF5;
	[smem:$0x3FBA] =	sst s0  }
0x18: {  	s0 =	sld [smem:$0x3F9D];
	_ =	swait.ge [sflag:s4], $0x0  }
0x19: {  	s7 =	sld [smem:$0x3F9E]  }
0x1a: {  	s8 =	sadd.s32 $0xFFFFE003, lr  }
0x1b: {  	s9 =	sadd.s32 $0xFFFFFEF7, lr;
	s5 =	simm.s32 $0xFFFFFFFF;
	p2 =	slt.u32 s8, $0xFFFFF086  }
0x1c: {  	p1 =	slt.u32 s9, $0xF7A;
	s5 =	simm.s32 @!p2 $0x0  }
0x1d: {  	s5 =	simm.s32 @p1 $0x1;
	p0 =	seq.s32 s7, s2  }
0x1e: {  	s7 =	smul.u32 @!p0 $0xF7A, s2;
	p2 =	seq.s32 @!p0 s5, $0x0  }
0x1f: {  	s9 =	smul.u32 $0xF7A, s1;
	s8 =	simm.s32 @!p0 $0x1BF5;
	p2 =	por !p2, p0  }
0x20: {  	[sflag:s8] =	ssyncset.s32 @!p0 $0xFFFFF086;
	s6 =	sadd.s32 @!p0 s3, s7;
	s7 =	simm.s32 @!p0 $0x108  }
0x21: {  	s3 =	sadd.s32 s3, s9;
	s6 =	sadd.s32 @!p0 $0x88, s6;
	s7 =	simm.s32 @p2 $0x1082  }
0x22: {  	[simem:s7], [sflag:s8] =	dma.local @!p0 [hbm:s6], $0xF7A  }
0x23: {  	s9 =	sor.u32 $0xD0000000, s2;
	s6 =	simm.s32 $0x108;
	_ =	swait.ge @!p0 [sflag:s8], $0x0  }
0x24: {  	s3 =	sadd.s32 $0x88, s3;
	s6 =	simm.s32 @!p1 $0x1082;
	[sflag:s4] =	ssyncset.s32 $0xFFFFF086  }
0x25: {  	[simem:s6], [sflag:s4] =	dma.local [hbm:s3], $0xF7A  }
0x26: {  	[smem:$0x3F9E] =	sst s1;
	(tag) =	ssettag s2;
	_ =	strace s9  }
0x27: {  	s1 =	sld [smem:$0x3FAE]  }
0x28: {  	s2 =	sld [smem:$0x3FAF]  }
0x29: {  	s4 =	sld [smem:$0x3FB1]  }
0x2a: {  	p0 =	seq.s32 s5, $0x0;
	s5 =	sld [smem:$0x3FB2]  }
0x2b: {  	s6 =	sld [smem:$0x3FB3]  }
0x2c: {  	s7 =	sld [smem:$0x3FB4]  }
0x2d: {  	s3 =	simm.s32 $0x108;
	s8 =	sld [smem:$0x3FB5]  }
0x2e: {  	s3 =	simm.s32 @!p0 $0x1082;
	s9 =	sld [smem:$0x3FB6]  }
0x2f: {  	lr =	sadd.s32 s0, s3;
	s0 =	sld [smem:$0x3FAD]  }
0x30: {  	s3 =	sld [smem:$0x3FB0]  }
0x31: {  	[smem:$0x3FB9] =	sst s10  }
0x32: {  	s10 =	sld [smem:$0x3FB7];
	_ =	sdelay $0x3  }
0x33: {  	p0 =	seq.s32 s10, $0x1;
	s10 =	sld [smem:$0x3FB9];
	_ =	sdelay $0x3  }
0x34: {  	[smem:$0x3FB9] =	sst s10  }
0x35: {  	s10 =	sld [smem:$0x3FB8];
	_ =	sdelay $0x3  }
0x36: {  	p1 =	seq.s32 s10, $0x1;
	s10 =	sld [smem:$0x3FB9];
	_ =	sdelay $0x3  }
0x37: {  	[smem:$0x3FB9] =	sst s10  }
0x38: {  	s10 =	sld [smem:$0x3FBA]  }
0x39: {  	_ = 	snop;
	(pc) =	sbr.ind lr, $3  }
0x3a: {  	_ = 	snop  }
0x3b: {  	_ = 	snop  }
0x3c: {  	p2 =	seq.s32 s10, $0x1;
	s10 =	sld [smem:$0x3FB9]  }
0x3d: {  	_ =	shalt  }
0x3e: {  	_ =	shalt  }
0x3f: {  	_ =	shalt  }
0x40: {  	_ =	shalt  }
0x41: {  	_ =	shalt  }
0x42: {  	_ =	shalt  }
0x43: {  	_ =	shalt  }
0x44: {  	_ =	shalt  }
0x45: {  	_ =	shalt  }
0x46: {  	_ =	shalt  }
0x47: {  	_ =	shalt  }
0x48: {  	_ =	shalt  }
0x49: {  	_ =	shalt  }
0x4a: {  	_ =	shalt  }
0x4b: {  	_ =	shalt  }
0x4c: {  	_ =	shalt  }
0x4d: {  	_ =	shalt  }
0x4e: {  	_ =	shalt  }
0x4f: {  	_ =	shalt  }
0x50: {  	_ =	shalt  }
0x51: {  	_ =	shalt  }
0x52: {  	_ =	shalt  }
0x53: {  	_ =	shalt  }
0x54: {  	_ =	shalt  }
0x55: {  	_ =	shalt  }
0x56: {  	_ =	shalt  }
0x57: {  	_ =	shalt  }
0x58: {  	_ =	shalt  }
0x59: {  	_ =	shalt  }
0x5a: {  	_ =	shalt  }
0x5b: {  	_ =	shalt  }
0x5c: {  	_ =	shalt  }
0x5d: {  	_ =	shalt  }
0x5e: {  	_ =	shalt  }
0x5f: {  	_ =	shalt  }
0x60: {  	_ =	shalt  }
0x61: {  	_ =	shalt  }
0x62: {  	_ =	shalt  }
0x63: {  	_ =	shalt  }
0x64: {  	_ =	shalt  }
0x65: {  	_ =	shalt  }
0x66: {  	_ =	shalt  }
0x67: {  	_ =	shalt  }
0x68: {  	_ =	shalt  }
0x69: {  	_ =	shalt  }
0x6a: {  	_ =	shalt  }
0x6b: {  	_ =	shalt  }
0x6c: {  	_ =	shalt  }
0x6d: {  	_ =	shalt  }
0x6e: {  	_ =	shalt  }
0x6f: {  	_ =	shalt  }
0x70: {  	_ =	shalt  }
0x71: {  	_ =	shalt  }
0x72: {  	_ =	shalt  }
0x73: {  	_ =	shalt  }
0x74: {  	_ =	shalt  }
0x75: {  	_ =	shalt  }
0x76: {  	_ =	shalt  }
0x77: {  	_ =	shalt  }
0x78: {  	_ =	shalt  }
0x79: {  	_ =	shalt  }
0x7a: {  	_ =	shalt  }
0x7b: {  	_ =	shalt  }
0x7c: {  	_ =	shalt  }
0x7d: {  	_ =	shalt  }
0x7e: {  	_ =	shalt  }
0x7f: {  	_ =	shalt  }
0x80: {  	_ =	shalt  }
0x81: {  	_ =	shalt  }
0x82: {  	_ =	shalt  }
0x83: {  	_ =	shalt  }
0x84: {  	_ =	shalt  }
0x85: {  	_ =	shalt  }
0x86: {  	_ =	shalt  }
0x87: {  	_ =	shalt  }
.Lfunc_end0:
.L_simem_size_0:
called_computation_lowered:
.L_overlay_start_0:
0x88: {  	s2 =	sld [smem:$0x3FD9]  }
0x89: {  	s3 =	sld [smem:$0x3FFE];
	_ =	sdelay $0x1  }
0x8a: {  	s1 =	srdreg.scid  }
0x8b: {  	s0 =	sand.u32 $0x1, s1  }
0x8c: {  	s17 =	sshll.u32 s0, $0xA;
	s2 =	sadd.s32 s3, s2  }
0x8d: {  	s2 =	sadd.s32 s2, s17  }
0x8e: {  	[smem:$0x3FC5] =	sst s2  }
0x8f: {  	_ = 	snop  }
0x90: {  	s2 =	sld [smem:$0x3FC9]  }
0x91: {  	s18 =	sld [smem:$0x3FC8]  }
0x92: {  	s4 =	sld [smem:$0x3FD0];
	(tm) =	ssettm $0x1  }
0x93: {  	s5 =	sld [smem:$0x3FFB];
	_ =	sdelay $0x3  }
0x94: {  	_ =	strace s5  }
0x95: {  	s5 =	sld [smem:$0x3FFC];
	_ =	sdelay $0x3  }
0x96: {  	_ =	strace s5  }
0x97: {  	s5 =	sld [smem:$0x3FFD];
	_ =	sdelay $0x3  }
0x98: {  	_ =	strace s5  }
0x99: {  	_ =	strace $0x8FFFFFFF  }
0x9a: {  	s19 =	sld [smem:$0x3FDB];
	_ =	sdelay $0x1  }
0x9b: {  	s6 =	simm.s32 $_scs_section_size  }
0x9c: {  	s7 =	simm.s32 $_size__tile_overlayer_lowered;
	s8 =	simm.s32 $_tile_overlayer_lowered  }
0x9d: {  	s22 =	simm.s32 $0x1BFF;
	s21 =	sshll.u32 s8, $0x1;
	s5 =	sadd.s32 s6, s19  }
0x9e: {  	s9 =	simm.s32 $0x0;
	s20 =	sshll.u32 s7, $0x1;
	s7 =	sadd.s32 s21, s5  }
0x9f: {  	[timem:s9], [sflag:s22] =	dma.local [hbm:s7], s20  }
0xa0: {  	_ =	swait.ge [sflag:s22], s20  }
0xa1: {  	s6 =	ssub.s32 $0x0, s20;
	[sflag:s22] =	ssyncset.done $0x0  }
0xa2: {  	[sflag:s22] =	ssyncadd.s32 s6;
	_ =	sdelay $0x1  }
0xa3: {  	s23 =	simm.s32 $0x1B8B  }
0xa4: {  	_ =	swait.ge [sflag:s23], $0x1  }
0xa5: {  	[sflag:s23] =	ssyncset.done $0x0  }
0xa6: {  	s25 =	simm.s32 $0x1B8E;
	s24 =	sld [smem:$0x3FFE];
	[sflag:s23] =	ssyncadd.s32 $0xFFFFFFFF  }
0xa7: {  	s26 =	simm.s32 $execute0_lowered;
	[smem:$0x3FD2] =	sst s25  }
0xa8: {  	s7 =	sshll.u32 s26, $0x1;
	_ =	strace $0x80000046;
	[dreg:$0x1] =	wrdreg $0xFFFFFFFF  }
0xa9: {  	s28 =	simm.s32 $_size_execute0_lowered;
	s5 =	sadd.s32 s5, s7;
	[dreg:$0x0] =	wrdreg $0x0  }
0xaa: {  	s7 =	sshll.u32 s28, $0x1;
	[dreg:$0x2] =	wrdreg s5  }
0xab: {  	[dreg:$0x3] =	wrdreg s7  }
0xac: {  	[dreg:$0x4] =	wrdreg $0xC0  }
0xad: {  	_ =	task [dreg:s9], $0x5FFFF  }
0xae: {  	[dreg:$0x1] =	wrdreg $0xFFFFFFFF  }
0xaf: {  	[dreg:$0x0] =	wrdreg $0x60  }
0xb0: {  	[dreg:$0x2] =	wrdreg s2  }
0xb1: {  	[dreg:$0x3] =	wrdreg s18  }
0xb2: {  	[dreg:$0x4] =	wrdreg s4  }
0xb3: {  	[dreg:$0x5] =	wrdreg s24  }
0xb4: {  	[dreg:$0x6] =	wrdreg $0x9  }
0xb5: {  	_ =	task.clear_ibuf [dreg:s9], $0x7FFFF;
	_ =	strace $0x90000046  }
0xb6: {  	s29 =	simm.s32 $0x9;
	_ =	strace $0x80000048  }
0xb7: {  	_ =	swait.ge [sflag:s29], $0x1  }
0xb8: {  	[sflag:s29] =	ssyncadd.s32 $0xFFFFFFFF  }
0xb9: {  	_ =	strace $0x90000048  }
0xba: {  	_ =	sfence  }
0xbb: {  	s30 =	sld [smem:$0x0];
	_ =	sdelay $0x2  }
0xbc: {  	s31 =	sshll.u32 s1, $0xD;
	s1 =	sshrl.u32 s1, $0x2  }
0xbd: {  	s3 =	sand.u32 $0x4000, s31;
	s1 =	sadd.s32 s1, s30  }
0xbe: {  	s0 =	sor.u32 s3, s0;
	s1 =	sshll.u32 s1, $0x11  }
0xbf: {  	s0 =	sor.u32 s1, s0  }
0xc0: {  	s0 =	sadd.s32 $0x8F2B, s0  }
0xc1: {  	[sflag:s0] =	ssyncadd.remote.s32 $0x1  }
0xc2: {  	_ =	sfence.sel $0xFFFF  }
0xc3: {  	[dreg:$0x0] =	wrdreg $0xFFFFFFFF;
	(pc) =	sbr.abs _section_cstart, $3  }
0xc4: {  	[dreg:$0x1] =	wrdreg $0xFFFFFFFF  }
0xc5: {  	_ =	task.clear_ibuf [dreg:s9], $0x2FFFF;
	_ =	strace $0x9FFFFFFF  }
0xc6: {  	(tm) =	ssettm $0x7FFFFFFF  }
0xc7: {  	_ =	shalt  }
tec
execute0_lowered:
.L_overlay_start_1:
0x0: {  	(tag) =	ssettag $0x1  }
0x1: {  	s2 =	rddreg [dreg:$0x0];
	s0 =	srdreg.scid  }
0x2: {  	s1 =	stileid.u32;
	s4 =	rddreg [dreg:$0x3]  }
0x3: {  	s5 =	simm.s32 $0x0;
	s0 =	sand.u32 $0x1, s0;
	s3 =	sshll.u32 s1, $0x1  }
0x4: {  	[smem:$0x7FF] =	sst s5;
	s3 =	sor.u32 s0, s3  }
0x5: {  	s4 =	sadd.s32 $0x400, s4;
	s0 =	ssub.s32 $0x2, s0;
	s28 =	smul.u32 $0x6400, s3  }
0x6: {  	_ =	strace $0x80000047;
	[dreg:$0x7] =	wrdreg s4;
	s29 =	sshrl.u32 s0, $0x1  }
0x7: {  	s0 =	ssub.s32 s0, s29;
	[dreg:$0x6] =	wrdreg s28;
	s1 =	sor.u32 $0x200, s28  }
0x8: {  	s8 =	sshrl.u32 s28, $0x3;
	s0 =	smax.u32 s0, $0x1;
	[dreg:$0xc] =	wrdreg s1  }
.Ltmp0:
0x9: {  	s2 =	sadd.s32 s2, s8;
	[dreg:$0xd] =	wrdreg s0;
	(pc) =	sbr.rel .LBB2_1-.Ltmp0, $4  }
0xa: {  	s30 =	sadd.s32 $0x10, s2;
	[dreg:$0x8] =	wrdreg s2  }
0xb: {  	s31 =	sadd.s32 $0x20, s2;
	[dreg:$0x9] =	wrdreg s30  }
0xc: {  	s2 =	sadd.s32 $0x30, s2;
	[dreg:$0xa] =	wrdreg s31  }
0xd: {  	[dreg:$0xb] =	wrdreg s2;
	s2 =	simm.s32 $0x0  }
.LBB2_9:
0xe: {  	s0 =	simm.s32 $0x6  }
0xf: {  	_ =	swait.ge [sflag:s0], $0x4000  }
0x10: {  	[sflag:s0] =	ssyncset.done $0x0  }
0x11: {  	s30 =	simm.s32 $0x4;
	[sflag:s0] =	ssyncadd.s32 $0xFFFFC000  }
0x12: {  	_ =	swait.ge [sflag:s30], $0x4000  }
0x13: {  	[sflag:s30] =	ssyncset.done $0x0  }
0x14: {  	s1 =	simm.s32 $0x5;
	[sflag:s30] =	ssyncadd.s32 $0xFFFFC000  }
0x15: {  	_ =	swait.ge [sflag:s1], $0x4000  }
0x16: {  	s2 =	rddreg [dreg:$0xe]  }
0x17: {  	s31 =	rddreg [dreg:$0xd];
	s2 =	sadd.s32 $0x1, s2  }
0x18: {  	p0 =	sne.s32 s2, s31  }
.Ltmp1:
0x19: {  	_ = 	snop;
	(pc) =	sbr.rel @!p0 .LBB2_10-.Ltmp1, $3  }
0x1a: {  	_ =	sdelay $0x1  }
0x1b: {  	[sflag:s1] =	ssyncset.done $0x0  }
0x1c: {  	[sflag:s1] =	ssyncadd.s32 $0xFFFFC000  }
.LBB2_1:
0x1d: {  	[dreg:$0xe] =	wrdreg s2  }
0x1e: {  	s0 =	rddreg [dreg:$0x2];
	s1 =	simm.s32 $0x18200;
	s16 =	simm.s32 $0xB  }
0x1f: {  	[tilespmem:s1], [sflag:$0xB] =	stream.linear.gather [hbm4b:s0+s5], $0x6400, $0x38;
	[tilespmem:$0x1E600] =	vst v63  }
0x20: {  	_ =	swait.ge [sflag:s16], $0x6400  }
0x21: {  	[sflag:s16] =	ssyncset.done $0x0  }
0x22: {  	s17 =	rddreg [dreg:$0x8];
	[sflag:s16] =	ssyncadd.s32 $0xFFFF9C00  }
0x23: {  	[tilespmem:s5], [sflag:$0x7] =	stream.linear.gather [hbm4b:s17+s5], $0x80, $0x38;
	[tilespmem:$0x1E600] =	vst v63  }
0x24: {  	s19 =	simm.s32 $0x80;
	s18 =	rddreg [dreg:$0x9]  }
0x25: {  	[tilespmem:s19], [sflag:$0x8] =	stream.linear.gather [hbm4b:s18+s5], $0x80, $0x38;
	[tilespmem:$0x1E600] =	vst v63  }
0x26: {  	s21 =	simm.s32 $0x100;
	s20 =	rddreg [dreg:$0xa]  }
0x27: {  	[tilespmem:s21], [sflag:$0x9] =	stream.linear.gather [hbm4b:s20+s5], $0x80, $0x38;
	[tilespmem:$0x1E600] =	vst v63  }
0x28: {  	s23 =	simm.s32 $0x180;
	s24 =	simm.s32 $0x7;
	s22 =	rddreg [dreg:$0xb]  }
0x29: {  	[tilespmem:s23], [sflag:$0xA] =	stream.linear.gather [hbm4b:s22+s5], $0x80, $0x38;
	[tilespmem:$0x1E600] =	vst v63  }
0x2a: {  	_ =	swait.ge [sflag:s24], $0x80  }
0x2b: {  	[sflag:s24] =	ssyncset.done $0x0  }
0x2c: {  	[sflag:s24] =	ssyncadd.s32 $0xFFFFFF80  }
0x2d: {  	s25 =	simm.s32 $0x200;
	s0 =	rddreg [dreg:$0x1]  }
0x2e: {  	[tilespmem:s25], [sflag:$0x1] =	stream.indirect.gather [hbm4b:s0+s19], $0x80, s5, s19, $0xb8;
	[tilespmem:$0x1E600] =	vst v63  }
.Ltmp2:
0x2f: {  	s26 =	simm.s32 $0x8;
	(pc) =	sbr.rel .LBB2_2-.Ltmp2, $4  }
0x30: {  	s28 =	simm.s32 $0x4200;
	_ =	swait.ge [sflag:s26], $0x80  }
0x31: {  	s13 =	simm.s32 $0xC200;
	s29 =	simm.s32 $0x5B0;
	[sflag:s26] =	ssyncset.done $0x0  }
0x32: {  	s30 =	simm.s32 $0x0;
	s31 =	simm.s32 $0x0;
	[sflag:s26] =	ssyncadd.s32 $0xFFFFFF80  }
0x33: {  	[tilespmem:s28], [sflag:$0x2] =	stream.indirect.gather [hbm4b:s0+s19], $0x80, s19, s19, $0xb8;
	[tilespmem:$0x1E600] =	vst v63  }
.LBB2_5:
0x34: {  	s0 =	rddreg [dreg:$0xc]  }
0x35: {  	s0 =	sadd.s32 s6, s0  }
0x36: {  	s1 =	sand.u32 $0x3, s31;
	s3 =	rddreg [dreg:$0x0];
	s0 =	sshrl.u32 s0, $0x3  }
0x37: {  	s2 =	sshll.u32 s1, $0x7;
	s1 =	sadd.s32 $0x7, s1;
	s0 =	sadd.s32 s3, s0  }
0x38: {  	[tilespmem:s2], [sflag:s1] =	stream.linear.gather [hbm4b:s0+s5], $0x80, $0x38;
	[tilespmem:$0x1E600] =	vst v63  }
.LBB2_7:
0x39: {  	s0 =	sadd.s32 $0x2, s31  }
0x3a: {  	s1 =	smul.u32 $0xAB, s0;
	_ =	sdelay $0x1  }
0x3b: {  	s1 =	sshrl.u32 s1, $0x9  }
0x3c: {  	s1 =	sand.u32 $0x7F, s1  }
0x3d: {  	s2 =	sand.u32 $0x3, s0;
	s1 =	smul.u32 $0x3, s1  }
0x3e: {  	s3 =	sadd.s32 $0x7, s2  }
0x3f: {  	_ =	swait.ge [sflag:s3], $0x80;
	s0 =	ssub.s32 s0, s1  }
0x40: {  	s4 =	simm.s32 $0x80;
	[sflag:s3] =	ssyncset.done $0x0;
	s0 =	sand.u32 $0xFF, s0  }
0x41: {  	s2 =	sshll.u32 s2, $0x7;
	[sflag:s3] =	ssyncadd.s32 $0xFFFFFF80;
	s28 =	sshll.u32 s0, $0xE  }
0x42: {  	s3 =	rddreg [dreg:$0x1];
	s0 =	sadd.s32 $0x1, s0;
	s1 =	sor.u32 $0x200, s28  }
0x43: {  	[tilespmem:s1], [sflag:s0] =	stream.indirect.gather [hbm4b:s3+s4], $0x80, s2, s4, $0xb8;
	[tilespmem:$0x1E600] =	vst v63  }
.LBB2_8:
0x44: {  	s31 =	sadd.s32 $0x1, s31  }
0x45: {  	p0 =	sne.s32 s31, $0xC8  }
.Ltmp3:
0x46: {  	_ = 	snop;
	(pc) =	sbr.rel @!p0 .LBB2_9-.Ltmp3, $2  }
0x47: {  	_ =	sdelay $0x2  }
0x48: {  	s30 =	sadd.s32 $0x80, s30;
	s13 =	sadd.s32 $0x4000, s13;
	s29 =	sadd.s32 $0x4000, s29  }
.LBB2_2:
0x49: {  	s0 =	smul.u32 $0xAB, s31;
	p0 =	slt.u32 s31, $0x3  }
0x4a: {  	s3 =	smulhi.u32 $0x51EB851F, s30;
	s4 =	sadd.s32 @!p0 $0xFFFFFFFD, s31  }
0x4b: {  	s8 =	sand.u32 @!p0 $0xFF, s4  }
0x4c: {  	s0 =	sshrl.u32 s0, $0x9;
	s3 =	sshrl.u32 s3, $0x6;
	s8 =	smul.u32 @!p0 $0xAB, s8  }
0x4d: {  	s0 =	sand.u32 $0x7F, s0;
	s3 =	smul.u32 $0xC8, s3  }
0x4e: {  	s0 =	smul.u32 $0x3, s0  }
0x4f: {  	s10 =	smulhi.u32 $0xAAAAAAAB, s31  }
0x50: {  	s8 =	sshrl.u32 @!p0 s8, $0x9;
	s9 =	ssub.s32 s30, s3;
	s0 =	ssub.s32 s31, s0  }
0x51: {  	[dreg:$0x5] =	wrdreg s9;
	s1 =	sand.u32 $0xFF, s0;
	s0 =	smul.u32 @!p0 $0x3, s8  }
0x52: {  	[dreg:$0xf] =	wrdreg s1;
	s9 =	sadd.s32 $0x1, s1  }
0x53: {  	_ =	swait.ge [sflag:s9], $0x4000;
	s0 =	ssub.s32 @!p0 s4, s0;
	s4 =	sshrl.u32 s10, $0x1  }
0x54: {  	[sflag:s9] =	ssyncset.done $0x0;
	s0 =	sor.u32 @!p0 $0x4, s0;
	s4 =	smul.u32 $0xFFFD0000, s4  }
0x55: {  	[sflag:s9] =	ssyncadd.s32 $0xFFFFC000;
	s0 =	sand.u32 @!p0 $0xFF, s0  }
0x56: {  	_ =	swait.ge @!p0 [sflag:s0], $0x4000;
	s4 =	sshra.s32 s4, $0x2  }
0x57: {  	s11 =	rddreg [dreg:$0x5];
	v0 =	vmov s4  }
0x58: {  	[sflag:s0] =	ssyncset.done @!p0 $0x0;
	s6 =	rddreg [dreg:$0x5]  }
0x59: {  	s12 =	sadd.s32 $0xFFFFFFF8, s11;
	[sflag:s0] =	ssyncadd.s32 @!p0 $0xFFFFC000;
	s7 =	sadd.s32 $0x0, s6  }
0x5a: {  	s8 =	sadd.s32 $0xF, s12;
	s22 =	sadd.s32 $0x8, s12;
	s23 =	sadd.s32 $0x9, s12  }
0x5b: {  	s10 =	sadd.s32 $0xA, s12;
	s11 =	sadd.s32 $0xB, s12;
	s14 =	sadd.s32 $0xC, s12  }
0x5c: {  	s18 =	sadd.s32 $0xE, s12;
	s0 =	sadd.s32 $0xF, s7;
	s9 =	sshll.u32 s8, $0x9;
	v1 =	vld.idx.msk [tilespmem:v0+s29+$0xFFFFFFD0 ss:$0x1], $0xffff  }
0x5d: {  	p1 =	slt.u32 s8, $0xC8;
	s17 =	sshll.u32 s22, $0x9;
	s4 =	sshll.u32 s23, $0x9;
	v3 =	vld.idx.msk [tilespmem:v0+s29+$0xFFFFFC50 ss:$0x1], $0xffff  }
0x5e: {  	s19 =	sshll.u32 s10, $0x9;
	s20 =	sshll.u32 s11, $0x9;
	s21 =	sshll.u32 s14, $0x9;
	v4 =	vld.idx.msk [tilespmem:v0+s29+$0xFFFFFCD0 ss:$0x1], $0xffff  }
0x5f: {  	p4 =	slt.u32 s22, $0xC8;
	p2 =	slt.u32 s23, $0xC8;
	s22 =	sshll.u32 s18, $0x9;
	v5 =	vld.idx.msk [tilespmem:v0+s29+$0xFFFFFD50 ss:$0x1], $0xffff  }
0x60: {  	p3 =	slt.u32 s10, $0xC8;
	p0 =	slt.u32 s14, $0xC8;
	s8 =	sadd.s32 $0xFFFE7000, s9;
	v6 =	vld.idx.msk [tilespmem:v0+s29+$0xFFFFFDD0 ss:$0x1], $0xffff  }
0x61: {  	s10 =	sadd.s32 $0xFFFE7000, s4;
	s8 =	smov.u32 @p1 s9;
	v7 =	vld.idx.msk [tilespmem:v0+s29+$0xFFFFFE50 ss:$0x1], $0xffff;
	s9 =	sadd.s32 $0xFFFE7000, s17  }
0x62: {  	p1 =	slt.u32 s11, $0xC8;
	v8 =	vld.idx.msk [tilespmem:v0+s29+$0xFFFFFF50 ss:$0x1], $0xffff;
	s10 =	smov.u32 @p2 s4;
	s16 =	sshra.s32 s8, $0x2  }
0x63: {  	s11 =	sadd.s32 $0xFFFE7000, s19;
	s9 =	smov.u32 @p4 s17;
	s25 =	sshra.s32 s10, $0x2;
	v2 =	vld [tilespmem:s16+$0x18200]  }
0x64: {  	s14 =	sadd.s32 $0xFFFE7000, s20;
	s11 =	smov.u32 @p3 s19;
	s24 =	sshra.s32 s9, $0x2;
	v11 =	vld [tilespmem:s25+$0x18200]  }
0x65: {  	s17 =	sadd.s32 $0xFFFE7000, s21;
	s14 =	smov.u32 @p1 s20;
	s26 =	sshra.s32 s11, $0x2;
	v10 =	vld [tilespmem:s24+$0x18200]  }
0x66: {  	s4 =	sshll.u32 s0, $0x9;
	s17 =	smov.u32 @p0 s21;
	s1 =	sshra.s32 s14, $0x2;
	v12 =	vld [tilespmem:s26+$0x18200]  }
0x67: {  	s20 =	sadd.s32 $0xFFFE7000, s22;
	p0 =	slt.u32 s18, $0xC8;
	s2 =	sshra.s32 s17, $0x2;
	v13 =	vld [tilespmem:s1+$0x18200]  }
0x68: {  	s20 =	smov.u32 @p0 s22;
	p0 =	slt.u32 s0, $0xC8;
	s0 =	sadd.s32 $0x400, s29;
	v14 =	vld [tilespmem:s2+$0x18200]  }
0x69: {  	v62 =	vld.idx.msk [tilespmem:v0+s0+$0xFFFFFFD0 ss:$0x1], $0xffff  }
0x6a: {  	s15 =	sadd.s32 $0xD, s12;
	v17 =	vld.idx.msk [tilespmem:v0+s0+$0xFFFFFC50 ss:$0x1], $0xffff  }
0x6b: {  	s8 =	sshll.u32 s15, $0x9;
	p1 =	slt.u32 s15, $0xC8;
	v18 =	vld.idx.msk [tilespmem:v0+s0+$0xFFFFFCD0 ss:$0x1], $0xffff  }
0x6c: {  	s19 =	sadd.s32 $0xFFFE7000, s8;
	s9 =	sadd.s32 $0xFFFE7000, s4;
	s14 =	sadd.s32 $0x8, s7;
	v19 =	vld.idx.msk [tilespmem:v0+s0+$0xFFFFFD50 ss:$0x1], $0xffff  }
0x6d: {  	s18 =	sadd.s32 $0xA, s7;
	s19 =	smov.u32 @p1 s8;
	p6 =	slt.u32 s14, $0xC8;
	v20 =	vld.idx.msk [tilespmem:v0+s0+$0xFFFFFDD0 ss:$0x1], $0xffff  }
0x6e: {  	s21 =	sshll.u32 s18, $0x9;
	s3 =	sshra.s32 s19, $0x2;
	s19 =	sshll.u32 s14, $0x9;
	v21 =	vld.idx.msk [tilespmem:v0+s0+$0xFFFFFE50 ss:$0x1], $0xffff  }
0x6f: {  	p4 =	slt.u32 s18, $0xC8;
	s9 =	smov.u32 @p0 s4;
	v63 =	vld.idx.msk [tilespmem:v0+s0+$0xFFFFFED0 ss:$0x1], $0xffff;
	s10 =	sadd.s32 $0xFFFE7000, s19  }
0x70: {  	v22 =	vld.idx.msk [tilespmem:v0+s0+$0xFFFFFF50 ss:$0x1], $0xffff;
	s12 =	sshra.s32 s9, $0x2;
	s10 =	smov.u32 @p6 s19;
	s19 =	sadd.s32 $0xFFFE7000, s21  }
0x71: {  	v16 =	vld [tilespmem:s12+$0x18200];
	v1 =	vadd.f32 v2, v1;
	s18 =	sshra.s32 s10, $0x2;
	s19 =	smov.u32 @p4 s21  }
0x72: {  	v24 =	vld [tilespmem:s18+$0x18200];
	s10 =	sshra.s32 s19, $0x2  }
0x73: {  	s23 =	sadd.s32 $0xB, s7;
	[tilespmem:v0+s13+$0x380 ss:$0x1] =	vst.idx.msk $0xffff, v1;
	v26 =	vld [tilespmem:s10+$0x18200]  }
0x74: {  	s9 =	sshll.u32 s23, $0x9;
	v3 =	vadd.f32 v10, v3;
	v1 =	vld.idx.msk [tilespmem:v0+s29+$0xFFFFFFE0 ss:$0x1], $0xffff  }
0x75: {  	p2 =	slt.u32 s23, $0xC8;
	s21 =	sadd.s32 $0xFFFE7000, s9;
	v9 =	vld [tilespmem:s16+$0x18210]  }
0x76: {  	s5 =	sshra.s32 s20, $0x2;
	v2 =	vld.idx.msk [tilespmem:v0+s29+$0xFFFFFED0 ss:$0x1], $0xffff;
	s21 =	smov.u32 @p2 s9;
	[tilespmem:v0+s13+$0x0 ss:$0x1] =	vst.idx.msk $0xffff, v3;
	v3 =	vadd.f32 v12, v5  }
0x77: {  	v10 =	vld [tilespmem:s5+$0x18200];
	s9 =	sshra.s32 s21, $0x2  }
0x78: {  	v27 =	vld [tilespmem:s9+$0x18200];
	[tilespmem:v0+s13+$0x100 ss:$0x1] =	vst.idx.msk $0xffff, v3;
	v17 =	vadd.f32 v24, v17  }
0x79: {  	s4 =	sadd.s32 $0x400, s13;
	v56 =	vld [tilespmem:s26+$0x18210]  }
0x7a: {  	v34 =	vadd.f32 v26, v19;
	v1 =	vadd.f32 v9, v1;
	v9 =	vld [tilespmem:s3+$0x18200];
	[tilespmem:v0+s4+$0x0 ss:$0x1] =	vst.idx.msk $0xffff, v17  }
0x7b: {  	v37 =	vld.idx.msk [tilespmem:v0+s0+$0xFFFFFC60 ss:$0x1], $0xffff  }
0x7c: {  	[tilespmem:v0+s4+$0x100 ss:$0x1] =	vst.idx.msk $0xffff, v34;
	v48 =	vld [tilespmem:s18+$0x18210]  }
0x7d: {  	v41 =	vld.idx.msk [tilespmem:v0+s0+$0xFFFFFD60 ss:$0x1], $0xffff  }
0x7e: {  	v36 =	vadd.f32 v27, v20;
	[tilespmem:v0+s13+$0x390 ss:$0x1] =	vst.idx.msk $0xffff, v1;
	v50 =	vld [tilespmem:s10+$0x18210]  }
0x7f: {  	v1 =	vadd.f32 v11, v4;
	v4 =	vld.idx.msk [tilespmem:v0+s29+$0xFFFFFFF0 ss:$0x1], $0xffff  }
0x80: {  	[tilespmem:v0+s4+$0x180 ss:$0x1] =	vst.idx.msk $0xffff, v36;
	v5 =	vld [tilespmem:s16+$0x18220]  }
0x81: {  	v43 =	vld.idx.msk [tilespmem:v0+s0+$0xFFFFFDE0 ss:$0x1], $0xffff  }
0x82: {  	v51 =	vld [tilespmem:s9+$0x18210]  }
0x83: {  	[tilespmem:v0+s13+$0x80 ss:$0x1] =	vst.idx.msk $0xffff, v1;
	v1 =	vadd.f32 v13, v6;
	v6 =	vld.idx.msk [tilespmem:v0+s29+$0xFFFFFC60 ss:$0x1], $0xffff  }
0x84: {  	v3 =	vadd.f32 v14, v7;
	v7 =	vld.idx.msk [tilespmem:v0+s29+$0xFFFFFCE0 ss:$0x1], $0xffff  }
0x85: {  	v11 =	vld [tilespmem:s25+$0x18210]  }
0x86: {  	[tilespmem:v0+s13+$0x180 ss:$0x1] =	vst.idx.msk $0xffff, v1;
	v1 =	vadd.f32 v9, v2;
	v9 =	vld.idx.msk [tilespmem:v0+s29+$0xFFFFFD60 ss:$0x1], $0xffff  }
0x87: {  	[tilespmem:v0+s13+$0x200 ss:$0x1] =	vst.idx.msk $0xffff, v3;
	v3 =	vld.idx.msk [tilespmem:v0+s29+$0xFFFFFDE0 ss:$0x1], $0xffff  }
0x88: {  	v2 =	vadd.f32 v10, v8;
	v57 =	vld [tilespmem:s1+$0x18210]  }
0x89: {  	[tilespmem:v0+s13+$0x280 ss:$0x1] =	vst.idx.msk $0xffff, v1;
	v1 =	vld.idx.msk [tilespmem:v0+s29+$0xFFFFFE60 ss:$0x1], $0xffff  }
0x8a: {  	[tilespmem:v0+s13+$0x300 ss:$0x1] =	vst.idx.msk $0xffff, v2;
	v2 =	vld [tilespmem:s24+$0x18210]  }
0x8b: {  	v4 =	vadd.f32 v5, v4;
	v5 =	vld [tilespmem:s2+$0x18210]  }
0x8c: {  	v20 =	vadd.f32 v48, v37;
	v8 =	vld.idx.msk [tilespmem:v0+s29+$0xFFFFFEE0 ss:$0x1], $0xffff  }
0x8d: {  	v10 =	vld.idx.msk [tilespmem:v0+s29+$0xFFFFFF60 ss:$0x1], $0xffff  }
0x8e: {  	[tilespmem:v0+s4+$0x10 ss:$0x1] =	vst.idx.msk $0xffff, v20;
	v58 =	vld [tilespmem:s3+$0x18210]  }
0x8f: {  	[tilespmem:v0+s13+$0x3A0 ss:$0x1] =	vst.idx.msk $0xffff, v4;
	v4 =	vadd.f32 v11, v7;
	v7 =	vld [tilespmem:s5+$0x18210]  }
0x90: {  	v3 =	vadd.f32 v57, v3;
	v57 =	vld.idx.msk [tilespmem:v0+s0+$0xFFFFFC70 ss:$0x1], $0xffff  }
0x91: {  	[tilespmem:v0+s13+$0x90 ss:$0x1] =	vst.idx.msk $0xffff, v4;
	v6 =	vadd.f32 v2, v6;
	v2 =	vld.idx.msk [tilespmem:v0+s29+$0x0 ss:$0x1], $0xffff  }
0x92: {  	v4 =	vld.idx.msk [tilespmem:v0+s29+$0xFFFFFCF0 ss:$0x1], $0xffff  }
0x93: {  	v1 =	vadd.f32 v5, v1;
	[tilespmem:v0+s13+$0x190 ss:$0x1] =	vst.idx.msk $0xffff, v3;
	v3 =	vadd.f32 v58, v8;
	v8 =	vld [tilespmem:s25+$0x18220]  }
0x94: {  	[tilespmem:v0+s13+$0x10 ss:$0x1] =	vst.idx.msk $0xffff, v6;
	v59 =	vld [tilespmem:s1+$0x18220]  }
0x95: {  	v6 =	vadd.f32 v56, v9;
	[tilespmem:v0+s13+$0x210 ss:$0x1] =	vst.idx.msk $0xffff, v1;
	v9 =	vld.idx.msk [tilespmem:v0+s29+$0xFFFFFC70 ss:$0x1], $0xffff  }
0x96: {  	v1 =	vadd.f32 v7, v10;
	v10 =	vld.idx.msk [tilespmem:v0+s29+$0xFFFFFE70 ss:$0x1], $0xffff  }
0x97: {  	v7 =	vld [tilespmem:s24+$0x18220]  }
0x98: {  	[tilespmem:v0+s13+$0x290 ss:$0x1] =	vst.idx.msk $0xffff, v3;
	v60 =	vld [tilespmem:s2+$0x18220]  }
0x99: {  	[tilespmem:v0+s13+$0x110 ss:$0x1] =	vst.idx.msk $0xffff, v6;
	v6 =	vld.idx.msk [tilespmem:v0+s29+$0xFFFFFDF0 ss:$0x1], $0xffff  }
0x9a: {  	v3 =	vld.idx.msk [tilespmem:v0+s29+$0xFFFFFEF0 ss:$0x1], $0xffff  }
0x9b: {  	v61 =	vld [tilespmem:s3+$0x18220]  }
0x9c: {  	[tilespmem:v0+s13+$0x310 ss:$0x1] =	vst.idx.msk $0xffff, v1;
	v5 =	vld.idx.msk [tilespmem:v0+s29+$0xFFFFFD70 ss:$0x1], $0xffff  }
0x9d: {  	v1 =	vld.idx.msk [tilespmem:v0+s29+$0xFFFFFF70 ss:$0x1], $0xffff  }
0x9e: {  	v11 =	vld [tilespmem:s26+$0x18220];
	v4 =	vadd.f32 v8, v4  }
0x9f: {  	v15 =	vld [tilespmem:s5+$0x18220]  }
0xa0: {  	v56 =	vadd.f32 v51, v43;
	v9 =	vadd.f32 v7, v9;
	v7 =	vld [tilespmem:s16+$0x18230];
	[tilespmem:v0+s13+$0xA0 ss:$0x1] =	vst.idx.msk $0xffff, v4  }
0xa1: {  	v4 =	vld.idx.msk [tilespmem:v0+s29+$0xFFFFFD00 ss:$0x1], $0xffff  }
0xa2: {  	[tilespmem:v0+s4+$0x190 ss:$0x1] =	vst.idx.msk $0xffff, v56;
	v13 =	vld [tilespmem:s25+$0x18230]  }
0xa3: {  	v6 =	vadd.f32 v59, v6;
	v3 =	vadd.f32 v61, v3;
	v61 =	vld.idx.msk [tilespmem:v0+s0+$0xFFFFFDF0 ss:$0x1], $0xffff;
	[tilespmem:v0+s13+$0x20 ss:$0x1] =	vst.idx.msk $0xffff, v9  }
0xa4: {  	v8 =	vld.idx.msk [tilespmem:v0+s29+$0xFFFFFC80 ss:$0x1], $0xffff  }
0xa5: {  	[tilespmem:v0+s13+$0x1A0 ss:$0x1] =	vst.idx.msk $0xffff, v6;
	v14 =	vld [tilespmem:s24+$0x18230]  }
0xa6: {  	[tilespmem:v0+s13+$0x2A0 ss:$0x1] =	vst.idx.msk $0xffff, v3;
	v6 =	vld.idx.msk [tilespmem:v0+s29+$0xFFFFFE00 ss:$0x1], $0xffff  }
0xa7: {  	v5 =	vadd.f32 v11, v5;
	v3 =	vld.idx.msk [tilespmem:v0+s29+$0xFFFFFF00 ss:$0x1], $0xffff  }
0xa8: {  	v9 =	vadd.f32 v60, v10;
	v12 =	vld [tilespmem:s1+$0x18230]  }
0xa9: {  	v1 =	vadd.f32 v15, v1;
	[tilespmem:v0+s13+$0x120 ss:$0x1] =	vst.idx.msk $0xffff, v5;
	v55 =	vld [tilespmem:s3+$0x18230]  }
0xaa: {  	[tilespmem:v0+s13+$0x220 ss:$0x1] =	vst.idx.msk $0xffff, v9;
	v5 =	vld.idx.msk [tilespmem:v0+s29+$0xFFFFFD80 ss:$0x1], $0xffff  }
0xab: {  	s17 =	sadd.s32 $0xE, s7;
	[tilespmem:v0+s13+$0x320 ss:$0x1] =	vst.idx.msk $0xffff, v1;
	v9 =	vld.idx.msk [tilespmem:v0+s29+$0xFFFFFE80 ss:$0x1], $0xffff  }
0xac: {  	p0 =	slt.u32 s17, $0xC8;
	s14 =	sshll.u32 s17, $0x9;
	s16 =	sadd.s32 $0x9, s7;
	v15 =	vadd.f32 v16, v62;
	v1 =	vld.idx.msk [tilespmem:v0+s29+$0xFFFFFF80 ss:$0x1], $0xffff  }
0xad: {  	s21 =	sadd.s32 $0xFFFE7000, s14;
	s25 =	sadd.s32 $0xD, s7;
	s20 =	sshll.u32 s16, $0x9;
	v11 =	vld [tilespmem:s26+$0x18230]  }
0xae: {  	p5 =	slt.u32 s16, $0xC8;
	s11 =	sshll.u32 s25, $0x9;
	s17 =	sadd.s32 $0xFFFE7000, s20;
	[tilespmem:v0+s4+$0x380 ss:$0x1] =	vst.idx.msk $0xffff, v15;
	v10 =	vld [tilespmem:s2+$0x18230]  }
0xaf: {  	p1 =	slt.u32 s25, $0xC8;
	v16 =	vadd.f32 v50, v41;
	s24 =	sadd.s32 $0xC, s7;
	s17 =	smov.u32 @p5 s20;
	v15 =	vld.idx.msk [tilespmem:v0+s0+$0xFFFFFFE0 ss:$0x1], $0xffff  }
0xb0: {  	s19 =	sadd.s32 $0xFFFE7000, s11;
	s28 =	sshll.u32 s24, $0x9;
	s20 =	sshra.s32 s17, $0x2;
	v23 =	vld [tilespmem:s12+$0x18210]  }
0xb1: {  	p3 =	slt.u32 s24, $0xC8;
	s19 =	smov.u32 @p1 s11;
	[tilespmem:v0+s4+$0x110 ss:$0x1] =	vst.idx.msk $0xffff, v16;
	s17 =	sadd.s32 $0xFFFE7000, s28;
	v25 =	vld [tilespmem:s20+$0x18200]  }
0xb2: {  	s21 =	smov.u32 @p0 s14;
	s14 =	sshra.s32 s19, $0x2;
	v59 =	vld.idx.msk [tilespmem:v0+s0+$0xFFFFFD70 ss:$0x1], $0xffff;
	s17 =	smov.u32 @p3 s28  }
0xb3: {  	v2 =	vadd.f32 v7, v2;
	v30 =	vld [tilespmem:s14+$0x18200];
	s11 =	sshra.s32 s17, $0x2  }
0xb4: {  	s17 =	sshra.s32 s21, $0x2;
	v28 =	vld [tilespmem:s11+$0x18200];
	v8 =	vadd.f32 v14, v8  }
0xb5: {  	[tilespmem:v0+s13+$0x3B0 ss:$0x1] =	vst.idx.msk $0xffff, v2;
	v31 =	vld [tilespmem:s17+$0x18200];
	v15 =	vadd.f32 v23, v15  }
0xb6: {  	v2 =	vadd.f32 v13, v4;
	[tilespmem:v0+s13+$0x30 ss:$0x1] =	vst.idx.msk $0xffff, v8;
	v4 =	vadd.f32 v11, v5;
	v5 =	vld [tilespmem:s18+$0x18220]  }
0xb7: {  	v8 =	vld [tilespmem:s10+$0x18220];
	[tilespmem:v0+s4+$0x390 ss:$0x1] =	vst.idx.msk $0xffff, v15  }
0xb8: {  	v32 =	vadd.f32 v25, v18;
	[tilespmem:v0+s13+$0x130 ss:$0x1] =	vst.idx.msk $0xffff, v4;
	v4 =	vadd.f32 v10, v9;
	v9 =	vld [tilespmem:s9+$0x18220]  }
0xb9: {  	v33 =	vld.idx.msk [tilespmem:v0+s0+$0xFFFFFFF0 ss:$0x1], $0xffff  }
0xba: {  	v40 =	vadd.f32 v30, v63;
	[tilespmem:v0+s4+$0x80 ss:$0x1] =	vst.idx.msk $0xffff, v32;
	v35 =	vld [tilespmem:s12+$0x18220]  }
0xbb: {  	v39 =	vld.idx.msk [tilespmem:v0+s0+$0xFFFFFCE0 ss:$0x1], $0xffff  }
0xbc: {  	v38 =	vadd.f32 v28, v21;
	[tilespmem:v0+s4+$0x280 ss:$0x1] =	vst.idx.msk $0xffff, v40;
	v49 =	vld [tilespmem:s20+$0x18210]  }
0xbd: {  	v42 =	vadd.f32 v31, v22;
	v45 =	vld.idx.msk [tilespmem:v0+s0+$0xFFFFFEE0 ss:$0x1], $0xffff  }
0xbe: {  	v53 =	vld [tilespmem:s14+$0x18210];
	[tilespmem:v0+s4+$0x200 ss:$0x1] =	vst.idx.msk $0xffff, v38  }
0xbf: {  	[tilespmem:v0+s4+$0x300 ss:$0x1] =	vst.idx.msk $0xffff, v42;
	v44 =	vld.idx.msk [tilespmem:v0+s0+$0xFFFFFE60 ss:$0x1], $0xffff  }
0xc0: {  	v46 =	vld.idx.msk [tilespmem:v0+s0+$0xFFFFFF60 ss:$0x1], $0xffff;
	v18 =	vadd.f32 v35, v33  }
0xc1: {  	v52 =	vld [tilespmem:s11+$0x18210]  }
0xc2: {  	v54 =	vld [tilespmem:s17+$0x18210];
	v21 =	vadd.f32 v49, v39;
	[tilespmem:v0+s4+$0x3A0 ss:$0x1] =	vst.idx.msk $0xffff, v18  }
0xc3: {  	[tilespmem:v0+s13+$0xB0 ss:$0x1] =	vst.idx.msk $0xffff, v2;
	v2 =	vadd.f32 v12, v6;
	v18 =	vld.idx.msk [tilespmem:v0+s0+$0x0 ss:$0x1], $0xffff  }
0xc4: {  	v17 =	vadd.f32 v53, v45;
	[tilespmem:v0+s4+$0x90 ss:$0x1] =	vst.idx.msk $0xffff, v21;
	v47 =	vld [tilespmem:s12+$0x18230]  }
0xc5: {  	v3 =	vadd.f32 v55, v3;
	[tilespmem:v0+s13+$0x1B0 ss:$0x1] =	vst.idx.msk $0xffff, v2;
	v58 =	vld.idx.msk [tilespmem:v0+s0+$0xFFFFFCF0 ss:$0x1], $0xffff  }
0xc6: {  	v15 =	vadd.f32 v52, v44;
	[tilespmem:v0+s4+$0x290 ss:$0x1] =	vst.idx.msk $0xffff, v17;
	v6 =	vld [tilespmem:s20+$0x18220]  }
0xc7: {  	[tilespmem:v0+s13+$0x2B0 ss:$0x1] =	vst.idx.msk $0xffff, v3;
	v62 =	vld.idx.msk [tilespmem:v0+s0+$0xFFFFFEF0 ss:$0x1], $0xffff  }
0xc8: {  	v60 =	vadd.f32 v54, v46;
	v10 =	vld [tilespmem:s14+$0x18220];
	[tilespmem:v0+s4+$0x210 ss:$0x1] =	vst.idx.msk $0xffff, v15  }
0xc9: {  	[tilespmem:v0+s13+$0x230 ss:$0x1] =	vst.idx.msk $0xffff, v4;
	v8 =	vadd.f32 v8, v59;
	v7 =	vld.idx.msk [tilespmem:v0+s0+$0xFFFFFE70 ss:$0x1], $0xffff  }
0xca: {  	[tilespmem:v0+s4+$0x310 ss:$0x1] =	vst.idx.msk $0xffff, v60;
	v4 =	vld [tilespmem:s11+$0x18220];
	v2 =	vadd.f32 v47, v18  }
0xcb: {  	[tilespmem:v0+s4+$0x120 ss:$0x1] =	vst.idx.msk $0xffff, v8;
	v63 =	vld.idx.msk [tilespmem:v0+s0+$0xFFFFFF70 ss:$0x1], $0xffff;
	v3 =	vadd.f32 v6, v58  }
0xcc: {  	v9 =	vadd.f32 v9, v61;
	v11 =	vld [tilespmem:s17+$0x18220];
	[tilespmem:v0+s4+$0x3B0 ss:$0x1] =	vst.idx.msk $0xffff, v2  }
0xcd: {  	v2 =	vadd.f32 v5, v57;
	[tilespmem:v0+s4+$0xA0 ss:$0x1] =	vst.idx.msk $0xffff, v3;
	v3 =	vld.idx.msk [tilespmem:v0+s0+$0xFFFFFD80 ss:$0x1], $0xffff  }
0xce: {  	[tilespmem:v0+s4+$0x1A0 ss:$0x1] =	vst.idx.msk $0xffff, v9;
	v5 =	vld.idx.msk [tilespmem:v0+s0+$0xFFFFFD00 ss:$0x1], $0xffff  }
0xcf: {  	s26 =	sshll.u32 s31, $0x7;
	v7 =	vadd.f32 v4, v7;
	[tilespmem:v0+s4+$0x20 ss:$0x1] =	vst.idx.msk $0xffff, v2;
	v2 =	vld [tilespmem:s5+$0x18230]  }
0xd0: {  	v6 =	vld.idx.msk [tilespmem:v0+s0+$0xFFFFFC80 ss:$0x1], $0xffff;
	[dreg:$0x10] =	wrdreg s26  }
0xd1: {  	s8 =	simm.s32 $0x8;
	s28 =	smov.u32 s13;
	v8 =	vadd.f32 v10, v62;
	v4 =	vld.idx.msk [tilespmem:v0+s0+$0xFFFFFE00 ss:$0x1], $0xffff;
	[tilespmem:v0+s4+$0x220 ss:$0x1] =	vst.idx.msk $0xffff, v7;
	v7 =	vadd.f32 v11, v63  }
.LBB2_3:
0xd2: {  	v9 =	vld.idx.msk [tilespmem:v0+s0+$0xFFFFFE80 ss:$0x1], $0xffff  }
0xd3: {  	s19 =	smov.u32 s8;
	s8 =	sadd.s32 $0x8, s8;
	v10 =	vld [tilespmem:s10+$0x18230]  }
0xd4: {  	s15 =	rddreg [dreg:$0x5];
	v11 =	vld [tilespmem:s9+$0x18230];
	p0 =	slt.u32 s8, $0x78  }
0xd5: {  	v12 =	vld [tilespmem:s11+$0x18230];
	[tilespmem:v0+s4+$0x2A0 ss:$0x1] =	vst.idx.msk $0xffff, v8;
	s15 =	sadd.s32 s19, s15;
	s1 =	simm.s32 @!p0 $0x0  }
0xd6: {  	[tilespmem:v0+s4+$0x320 ss:$0x1] =	vst.idx.msk $0xffff, v7;
	v7 =	vld [tilespmem:s18+$0x18230];
	s18 =	sadd.s32 $0x8, s15;
	s19 =	sadd.s32 $0x9, s15;
	s21 =	sadd.s32 $0xF, s15;
	v8 =	vadd.f32 v2, v1  }
0xd7: {  	s23 =	sadd.s32 $0xB, s15;
	s10 =	sadd.s32 $0xC, s15;
	s24 =	sshll.u32 s21, $0x9;
	v1 =	vld.idx.msk [tilespmem:v0+s0+$0xFFFFFF80 ss:$0x1], $0xffff  }
0xd8: {  	s1 =	simm.s32 @p0 $0x1;
	p0 =	slt.u32 s21, $0xC8;
	s21 =	sadd.s32 $0xFFFE7000, s24;
	[tilespmem:v0+s28+$0x330 ss:$0x1] =	vst.idx.msk $0xffff, v8;
	v8 =	vld [tilespmem:s20+$0x18230]  }
0xd9: {  	s9 =	sadd.s32 $0xD, s15;
	v2 =	vld.idx.msk [tilespmem:v0+s0+$0xFFFFFF00 ss:$0x1], $0xffff;
	s0 =	sadd.s32 $0x400, s0;
	s21 =	smov.u32 @p0 s24  }
0xda: {  	s24 =	sadd.s32 $0xE, s15;
	v13 =	vld.idx.msk [tilespmem:v0+s0+$0xFFFFFFD0 ss:$0x1], $0xffff;
	s20 =	sadd.s32 $0xA, s15;
	s15 =	sshra.s32 s21, $0x2  }
0xdb: {  	s11 =	sshll.u32 s18, $0x9;
	v6 =	vadd.f32 v7, v6;
	v7 =	vld [tilespmem:s15+$0x18200]  }
0xdc: {  	s26 =	sshll.u32 s23, $0x9;
	p3 =	slt.u32 s18, $0xC8;
	s12 =	sadd.s32 $0xFFFE7000, s11;
	v3 =	vadd.f32 v10, v3;
	v10 =	vld.idx.msk [tilespmem:v0+s0+$0xFFFFFF50 ss:$0x1], $0xffff  }
0xdd: {  	s2 =	sshll.u32 s9, $0x9;
	p4 =	slt.u32 s19, $0xC8;
	s12 =	smov.u32 @p3 s11;
	v5 =	vadd.f32 v8, v5;
	v8 =	vld.idx.msk [tilespmem:v0+s0+$0xFFFFFC50 ss:$0x1], $0xffff  }
0xde: {  	p6 =	slt.u32 s23, $0xC8;
	p1 =	slt.u32 s10, $0xC8;
	s18 =	sshra.s32 s12, $0x2;
	[tilespmem:v0+s4+$0x30 ss:$0x1] =	vst.idx.msk $0xffff, v6;
	v6 =	vld.idx.msk [tilespmem:v0+s0+$0xFFFFFCD0 ss:$0x1], $0xffff  }
0xdf: {  	[smem:$0x7FD] =	sst s1;
	s1 =	sshll.u32 s10, $0x9;
	s21 =	sshll.u32 s19, $0x9;
	v51 =	vld [tilespmem:s18+$0x18200]  }
0xe0: {  	s7 =	sadd.s32 $0xFFFE7000, s26;
	v4 =	vadd.f32 v11, v4;
	s25 =	sshll.u32 s20, $0x9;
	s5 =	sadd.s32 $0xFFFE7000, s21;
	[tilespmem:v0+s4+$0xB0 ss:$0x1] =	vst.idx.msk $0xffff, v5;
	v5 =	vld.idx.msk [tilespmem:v0+s0+$0xFFFFFD50 ss:$0x1], $0xffff  }
0xe1: {  	p5 =	slt.u32 s20, $0xC8;
	s6 =	sadd.s32 $0xFFFE7000, s25;
	s5 =	smov.u32 @p4 s21;
	[tilespmem:v0+s4+$0x130 ss:$0x1] =	vst.idx.msk $0xffff, v3;
	v3 =	vadd.f32 v12, v9;
	v9 =	vld.idx.msk [tilespmem:v0+s0+$0xFFFFFDD0 ss:$0x1], $0xffff  }
0xe2: {  	p0 =	slt.u32 s9, $0xC8;
	s6 =	smov.u32 @p5 s25;
	s20 =	sshra.s32 s5, $0x2;
	[tilespmem:v0+s4+$0x1B0 ss:$0x1] =	vst.idx.msk $0xffff, v4;
	v4 =	vld.idx.msk [tilespmem:v0+s0+$0xFFFFFE50 ss:$0x1], $0xffff  }
0xe3: {  	s7 =	smov.u32 @p6 s26;
	s28 =	smov.u32 s4;
	s10 =	sshra.s32 s6, $0x2;
	v7 =	vadd.f32 v7, v13;
	v52 =	vld [tilespmem:s20+$0x18200]  }
0xe4: {  	s16 =	sshll.u32 s24, $0x9;
	s9 =	sshra.s32 s7, $0x2;
	v14 =	vld [tilespmem:s10+$0x18200];
	[tilespmem:v0+s4+$0x230 ss:$0x1] =	vst.idx.msk $0xffff, v3;
	s4 =	sadd.s32 $0x400, s4  }
0xe5: {  	p2 =	slt.u32 s24, $0xC8;
	s19 =	sadd.s32 $0xFFFE7000, s16;
	v15 =	vld [tilespmem:s9+$0x18200];
	[tilespmem:v0+s4+$0x380 ss:$0x1] =	vst.idx.msk $0xffff, v7  }
0xe6: {  	s19 =	smov.u32 @p2 s16;
	v7 =	vld.idx.msk [tilespmem:v0+s0+$0xFFFFFFE0 ss:$0x1], $0xffff  }
0xe7: {  	s3 =	sadd.s32 $0xFFFE7000, s1;
	s19 =	sshra.s32 s19, $0x2;
	v11 =	vld [tilespmem:s15+$0x18210]  }
0xe8: {  	s3 =	smov.u32 @p1 s1;
	v53 =	vld [tilespmem:s19+$0x18200];
	v8 =	vadd.f32 v51, v8  }
0xe9: {  	s11 =	sshra.s32 s3, $0x2;
	v3 =	vld.idx.msk [tilespmem:v0+s0+$0xFFFFFED0 ss:$0x1], $0xffff  }
0xea: {  	s22 =	sadd.s32 $0xFFFE7000, s2;
	v16 =	vld [tilespmem:s11+$0x18200];
	v6 =	vadd.f32 v52, v6;
	[tilespmem:v0+s4+$0x0 ss:$0x1] =	vst.idx.msk $0xffff, v8  }
0xeb: {  	s22 =	smov.u32 @p0 s2;
	v5 =	vadd.f32 v14, v5;
	v54 =	vld [tilespmem:s18+$0x18210]  }
0xec: {  	s25 =	sshra.s32 s22, $0x2;
	[tilespmem:v0+s4+$0x80 ss:$0x1] =	vst.idx.msk $0xffff, v6;
	v6 =	vadd.f32 v15, v9;
	v9 =	vld.idx.msk [tilespmem:v0+s0+$0xFFFFFC60 ss:$0x1], $0xffff;
	v7 =	vadd.f32 v11, v7  }
0xed: {  	[tilespmem:v0+s4+$0x100 ss:$0x1] =	vst.idx.msk $0xffff, v5;
	v11 =	vld [tilespmem:s25+$0x18200]  }
0xee: {  	v5 =	vld.idx.msk [tilespmem:v0+s0+$0xFFFFFCE0 ss:$0x1], $0xffff;
	[tilespmem:v0+s4+$0x390 ss:$0x1] =	vst.idx.msk $0xffff, v7  }
0xef: {  	v7 =	vld.idx.msk [tilespmem:v0+s0+$0xFFFFFFF0 ss:$0x1], $0xffff  }
0xf0: {  	v8 =	vld [tilespmem:s15+$0x18220]  }
0xf1: {  	v4 =	vadd.f32 v16, v4;
	v55 =	vld [tilespmem:s20+$0x18210]  }
0xf2: {  	v56 =	vld [tilespmem:s10+$0x18210];
	[tilespmem:v0+s4+$0x180 ss:$0x1] =	vst.idx.msk $0xffff, v6  }
0xf3: {  	[tilespmem:v0+s4+$0x200 ss:$0x1] =	vst.idx.msk $0xffff, v4;
	v4 =	vadd.f32 v53, v10;
	v10 =	vld.idx.msk [tilespmem:v0+s0+$0xFFFFFDE0 ss:$0x1], $0xffff  }
0xf4: {  	v57 =	vld [tilespmem:s9+$0x18210];
	v3 =	vadd.f32 v11, v3  }
0xf5: {  	v58 =	vld [tilespmem:s11+$0x18210];
	[tilespmem:v0+s4+$0x300 ss:$0x1] =	vst.idx.msk $0xffff, v4;
	v4 =	vadd.f32 v8, v7  }
0xf6: {  	v59 =	vld [tilespmem:s19+$0x18210];
	[tilespmem:v0+s4+$0x280 ss:$0x1] =	vst.idx.msk $0xffff, v3  }
0xf7: {  	v3 =	vld.idx.msk [tilespmem:v0+s0+$0xFFFFFE60 ss:$0x1], $0xffff;
	[tilespmem:v0+s4+$0x3A0 ss:$0x1] =	vst.idx.msk $0xffff, v4  }
0xf8: {  	v4 =	vld.idx.msk [tilespmem:v0+s0+$0x0 ss:$0x1], $0xffff  }
0xf9: {  	v9 =	vadd.f32 v54, v9;
	v11 =	vld [tilespmem:s15+$0x18230]  }
0xfa: {  	v5 =	vadd.f32 v55, v5;
	v8 =	vld.idx.msk [tilespmem:v0+s0+$0xFFFFFF60 ss:$0x1], $0xffff  }
0xfb: {  	v6 =	vld.idx.msk [tilespmem:v0+s0+$0xFFFFFD60 ss:$0x1], $0xffff;
	[tilespmem:v0+s4+$0x10 ss:$0x1] =	vst.idx.msk $0xffff, v9  }
0xfc: {  	v9 =	vld.idx.msk [tilespmem:v0+s0+$0xFFFFFC70 ss:$0x1], $0xffff;
	[tilespmem:v0+s4+$0x90 ss:$0x1] =	vst.idx.msk $0xffff, v5;
	v5 =	vadd.f32 v57, v10  }
0xfd: {  	v7 =	vld.idx.msk [tilespmem:v0+s0+$0xFFFFFEE0 ss:$0x1], $0xffff;
	v3 =	vadd.f32 v58, v3  }
0xfe: {  	[tilespmem:v0+s4+$0x190 ss:$0x1] =	vst.idx.msk $0xffff, v5;
	v4 =	vadd.f32 v11, v4;
	v11 =	vld [tilespmem:s25+$0x18210]  }
0xff: {  	v10 =	vld.idx.msk [tilespmem:v0+s0+$0xFFFFFCF0 ss:$0x1], $0xffff;
	[tilespmem:v0+s4+$0x210 ss:$0x1] =	vst.idx.msk $0xffff, v3;
	v3 =	vadd.f32 v59, v8  }
0x100: {  	[tilespmem:v0+s4+$0x3B0 ss:$0x1] =	vst.idx.msk $0xffff, v4;
	v4 =	vadd.f32 v56, v6;
	v6 =	vld [tilespmem:s14+$0x18230]  }
0x101: {  	v61 =	vld [tilespmem:s9+$0x18220];
	[tilespmem:v0+s4+$0x310 ss:$0x1] =	vst.idx.msk $0xffff, v3  }
0x102: {  	v3 =	vld [tilespmem:s20+$0x18220];
	[tilespmem:v0+s4+$0x110 ss:$0x1] =	vst.idx.msk $0xffff, v4  }
0x103: {  	v4 =	vld.idx.msk [tilespmem:v0+s0+$0xFFFFFD70 ss:$0x1], $0xffff;
	v5 =	vadd.f32 v11, v7  }
0x104: {  	v7 =	vld.idx.msk [tilespmem:v0+s0+$0xFFFFFDF0 ss:$0x1], $0xffff  }
0x105: {  	[tilespmem:v0+s4+$0x290 ss:$0x1] =	vst.idx.msk $0xffff, v5;
	v2 =	vadd.f32 v6, v2;
	v5 =	vld [tilespmem:s10+$0x18220]  }
0x106: {  	v11 =	vld.idx.msk [tilespmem:v0+s0+$0xFFFFFEF0 ss:$0x1], $0xffff  }
0x107: {  	[tilespmem:v0+s28+$0x2B0 ss:$0x1] =	vst.idx.msk $0xffff, v2;
	v2 =	vld [tilespmem:s18+$0x18220]  }
0x108: {  	v8 =	vld.idx.msk [tilespmem:v0+s0+$0xFFFFFE70 ss:$0x1], $0xffff  }
0x109: {  	s26 =	sld [smem:$0x7FD];
	v62 =	vld [tilespmem:s11+$0x18220]  }
0x10a: {  	v60 =	vld.idx.msk [tilespmem:v0+s0+$0xFFFFFF70 ss:$0x1], $0xffff;
	v3 =	vadd.f32 v3, v10  }
0x10b: {  	s14 =	smov.u32 s25;
	v10 =	vld [tilespmem:s19+$0x18220];
	v7 =	vadd.f32 v61, v7  }
0x10c: {  	p0 =	seq.s32 s26, $0x1;
	[tilespmem:v0+s4+$0xA0 ss:$0x1] =	vst.idx.msk $0xffff, v3;
	v4 =	vadd.f32 v5, v4;
	v2 =	vadd.f32 v2, v9;
	v9 =	vld [tilespmem:s14+$0x18220]  }
.Ltmp4:
0x10d: {  	v5 =	vld.idx.msk [tilespmem:v0+s0+$0xFFFFFD00 ss:$0x1], $0xffff;
	[tilespmem:v0+s4+$0x1A0 ss:$0x1] =	vst.idx.msk $0xffff, v7;
	(pc) =	sbr.rel @p0 .LBB2_3-.Ltmp4, $4  }
0x10e: {  	[tilespmem:v0+s4+$0x120 ss:$0x1] =	vst.idx.msk $0xffff, v4;
	v4 =	vld.idx.msk [tilespmem:v0+s0+$0xFFFFFE00 ss:$0x1], $0xffff  }
0x10f: {  	v63 =	vadd.f32 v62, v8;
	v3 =	vld.idx.msk [tilespmem:v0+s0+$0xFFFFFD80 ss:$0x1], $0xffff  }
0x110: {  	[tilespmem:v0+s4+$0x20 ss:$0x1] =	vst.idx.msk $0xffff, v2;
	v2 =	vld [tilespmem:s17+$0x18230]  }
0x111: {  	[tilespmem:v0+s4+$0x220 ss:$0x1] =	vst.idx.msk $0xffff, v63;
	v7 =	vadd.f32 v10, v60;
	s17 =	smov.u32 s19;
	v6 =	vld.idx.msk [tilespmem:v0+s0+$0xFFFFFC80 ss:$0x1], $0xffff;
	v8 =	vadd.f32 v9, v11  }
0x112: {  	_ =	sdelay $0x3  }
0x113: {  	v9 =	vld.idx.msk [tilespmem:v0+s0+$0xFFFFFE80 ss:$0x1], $0xffff  }
0x114: {  	v10 =	vld [tilespmem:s18+$0x18230]  }
0x115: {  	v11 =	vld [tilespmem:s20+$0x18230]  }
0x116: {  	v12 =	vld [tilespmem:s10+$0x18230]  }
0x117: {  	v13 =	vld [tilespmem:s9+$0x18230]  }
0x118: {  	v57 =	vld [tilespmem:s11+$0x18230];
	[tilespmem:v0+s4+$0x2A0 ss:$0x1] =	vst.idx.msk $0xffff, v8  }
0x119: {  	[tilespmem:v0+s4+$0x320 ss:$0x1] =	vst.idx.msk $0xffff, v7;
	v8 =	vld.idx.msk [tilespmem:v0+s0+$0xFFFFFF00 ss:$0x1], $0xffff;
	v1 =	vadd.f32 v2, v1  }
0x11a: {  	v7 =	vld.idx.msk [tilespmem:v0+s0+$0xFFFFFF80 ss:$0x1], $0xffff;
	v6 =	vadd.f32 v10, v6  }
0x11b: {  	v58 =	vld [tilespmem:s14+$0x18230];
	[tilespmem:v0+s28+$0x330 ss:$0x1] =	vst.idx.msk $0xffff, v1;
	v59 =	vadd.f32 v11, v5  }
0x11c: {  	v60 =	vld [tilespmem:s17+$0x18230];
	v3 =	vadd.f32 v12, v3;
	[tilespmem:v0+s4+$0x30 ss:$0x1] =	vst.idx.msk $0xffff, v6  }
0x11d: {  	v61 =	vadd.f32 v13, v4;
	[tilespmem:v0+s4+$0xB0 ss:$0x1] =	vst.idx.msk $0xffff, v59  }
0x11e: {  	v2 =	vadd.f32 v57, v9;
	[tilespmem:v0+s4+$0x130 ss:$0x1] =	vst.idx.msk $0xffff, v3  }
0x11f: {  	[tilespmem:v0+s4+$0x1B0 ss:$0x1] =	vst.idx.msk $0xffff, v61  }
0x120: {  	v62 =	vadd.f32 v58, v8;
	[tilespmem:v0+s4+$0x230 ss:$0x1] =	vst.idx.msk $0xffff, v2  }
0x121: {  	p0 =	sgt.u32 s31, $0xC3;
	v63 =	vadd.f32 v60, v7;
	s28 =	rddreg [dreg:$0x6]  }
.Ltmp5:
0x122: {  	s6 =	rddreg [dreg:$0x10];
	[tilespmem:v0+s4+$0x2B0 ss:$0x1] =	vst.idx.msk $0xffff, v62;
	(pc) =	sbr.rel @!p0 .LBB2_5-.Ltmp5, $4  }
0x123: {  	s5 =	simm.s32 $0x0;
	s0 =	sadd.s32 s28, s6;
	s2 =	rddreg [dreg:$0xf];
	[tilespmem:v0+s4+$0x330 ss:$0x1] =	vst.idx.msk $0xffff, v63  }
0x124: {  	s0 =	sshll.u32 s0, $0x4;
	s1 =	sshll.u32 s2, $0xE;
	s3 =	rddreg [dreg:$0x7]  }
0x125: {  	s2 =	sadd.s32 $0x4, s2;
	s1 =	sadd.s32 $0xC200, s1;
	s0 =	sadd.s32 s3, s0  }
0x126: {  	[hbm4b:s0+s5] =	stream.linear.scatter [tilespmem:s1], [sflag:s2], $0x4000, $0x38;
	[tilespmem:$0x1E600] =	vst v63  }
0x127: {  	p0 =	sgt.u32 s31, $0xC5  }
.Ltmp6:
0x128: {  	_ = 	snop;
	(pc) =	sbr.rel @p0 .LBB2_8-.Ltmp6, $4  }
.Ltmp7:
0x129: {  	_ = 	snop;
	(pc) =	sbr.rel @!p0 .LBB2_7-.Ltmp7, $4  }
0x12a: {  	_ = 	snop  }
0x12b: {  	_ = 	snop  }
0x12c: {  	_ = 	snop  }
0x12d: {  	_ = 	snop  }
.LBB2_10:
0x12e: {  	_ =	sfence.sel $0x180000  }
0x12f: {  	[bflag:$0x0] =	sbarrier.arrive $0xFFFF  }
0x130: {  	_ =	strace $0x90000047  }
0x131: {  	s0 =	stileid.u32;
	[bflag:$0x2] =	sbarrier.arrive $0xFFFF  }
0x132: {  	p0 =	sne.s32 s0, $0x0;
	s0 =	rddreg [dreg:$0x4]  }
0x133: {  	s0 =	sadd.s32 @!p0 $0x100000, s0  }
0x134: {  	[sflag:s0] =	ssyncadd.tile.s32 @!p0 $0x1;
	_ =	shalt  }
.Lfunc_end2:
_tile_overlayer_lowered:
.L_overlay_start_2:
0x135: {  	(tag) =	ssettag $0x2  }
0x136: {  	s0 =	rddreg [dreg:$0x0];
	s2 =	stileid.u32  }
0x137: {  	s1 =	rddreg [dreg:$0x1];
	p0 =	sne.s32 s2, $0x0  }
0x138: {  	s3 =	rddreg [dreg:$0x2];
	[bflag:$0x3] =	sbarrier.arrive $0xFFFF;
	s2 =	simm.s32 @!p0 $0x1C0B  }
0x139: {  	[timem:s3], [sflag:s2] =	dma.local @!p0 [hbm:s0], s1  }
0x13a: {  	s0 =	simm.s32 @!p0 $0xB  }
0x13b: {  	_ =	swait.ge @!p0 [sflag:s0], s1  }
0x13c: {  	s1 =	ssub.s32 @!p0 $0x0, s1;
	[sflag:s0] =	ssyncset.done @!p0 $0x0  }
0x13d: {  	[sflag:s0] =	ssyncadd.s32 @!p0 s1  }
0x13e: {  	[bflag:$0x3] =	sbarrier.arrive $0xFFFF  }
0x13f: {  	_ =	shalt  }

</sc_bundles>
